<compile_context>
chip_gen: v7x
topology: tpu7x:2x2x1
jax: 0.10.2.dev20260603
libtpu: 0.0.44.dev20260713+nightly
codegen_flags: <defaults>
</compile_context>

<pallas_src>
import functools

import jax
import jax.numpy as jnp
from jax import lax
from jax.experimental import pallas as pl
from jax.experimental.pallas import tpu as pltpu
from jax.experimental.pallas import tpu_sc as plsc

N_STATES = 2
N_OBVS = 6
LANES = 16
NUM_CORES = 2
NUM_SUBCORES = 16
NUM_WORKERS = NUM_CORES * NUM_SUBCORES
CHUNK_ROWS = 40
NBUF = 2


def _make_sc_lookup(n_rows: int, n_cols: int):
    cols_per_worker = n_cols // NUM_WORKERS
    n_chunks = n_rows // CHUNK_ROWS
    assert cols_per_worker * NUM_WORKERS == n_cols
    assert cols_per_worker % LANES == 0
    assert n_chunks * CHUNK_ROWS == n_rows and n_chunks >= NBUF
    sh = (CHUNK_ROWS, cols_per_worker)

    mesh = plsc.VectorSubcoreMesh(core_axis_name="c", subcore_axis_name="s")

    @functools.partial(
        pl.kernel,
        mesh=mesh,
        out_type=jax.ShapeDtypeStruct((n_rows, n_cols), jnp.float32),
        compiler_params=pltpu.CompilerParams(needs_layout_passes=False),
        scratch_types=(
            [pltpu.VMEM(sh, jnp.int32) for _ in range(2 * NBUF)]
            + [pltpu.VMEM(sh, jnp.float32) for _ in range(NBUF)]
            + [pltpu.VMEM((LANES,), jnp.float32)]
            + [pltpu.VMEM((N_STATES, N_OBVS), jnp.float32)]
            + [pltpu.SemaphoreType.DMA for _ in range(2 * NBUF)]
        ),
    )
    def sc_lookup(s_hbm, o_hbm, em_hbm, out_hbm, *scratch):
        s_v = scratch[0:NBUF]
        o_v = scratch[NBUF : 2 * NBUF]
        out_v = scratch[2 * NBUF : 3 * NBUF]
        em_v = scratch[3 * NBUF]
        em2_v = scratch[3 * NBUF + 1]
        sem_in = scratch[3 * NBUF + 2 : 3 * NBUF + 2 + NBUF]
        sem_out = scratch[3 * NBUF + 2 + NBUF :]

        wid = lax.axis_index("s") * NUM_CORES + lax.axis_index("c")
        cols = pl.ds(wid * cols_per_worker, cols_per_worker)

        def start_in(g):
            b = g % NBUF
            rows = pl.ds(g * CHUNK_ROWS, CHUNK_ROWS)
            return (
                pltpu.async_copy(s_hbm.at[rows, cols], s_v[b], sem_in[b]),
                pltpu.async_copy(o_hbm.at[rows, cols], o_v[b], sem_in[b]),
            )

        in_cp = {0: start_in(0)}
        pltpu.sync_copy(em_hbm, em2_v)
        lane = lax.iota(jnp.int32, LANES)
        valid = lane < N_STATES * N_OBVS
        em_v[...] = plsc.load_gather(
            em2_v, [lane // N_OBVS, lane % N_OBVS], mask=valid
        )
        out_cp = {}
        for g in range(n_chunks):
            b = g % NBUF
            if g + 1 < n_chunks:
                in_cp[g + 1] = start_in(g + 1)
            for cp in in_cp.pop(g):
                cp.wait()
            if g >= NBUF:
                out_cp.pop(g - NBUF).wait()

            sb, ob, ub = s_v[b], o_v[b], out_v[b]
            spr = cols_per_worker // LANES

            @plsc.parallel_loop(0, CHUNK_ROWS * spr, 1, unroll=4)
            def body(t):
                r = t // spr
                c = (t % spr) * LANES
                flat = sb[r, pl.ds(c, LANES)] * N_OBVS + ob[r, pl.ds(c, LANES)]
                ub[r, pl.ds(c, LANES)] = plsc.load_gather(em_v, [flat])

            out_cp[g] = pltpu.async_copy(
                ub, out_hbm.at[pl.ds(g * CHUNK_ROWS, CHUNK_ROWS), cols], sem_out[b]
            )
        for g in sorted(out_cp):
            out_cp.pop(g).wait()

    return sc_lookup


def kernel(state, obs, log_em):
    n_rows, n_cols = state.shape
    out_t = _make_sc_lookup(n_cols, n_rows)(state.T, obs.T, log_em)
    return out_t.T

# --- scband reference (transcript-rebuilt; emitter-appended) ---
"""Pipeline reference for scband-casino-emission-40286793236543 (READ-ONLY COPY).

The authoritative reference and input builder live on the scoring server;
editing this copy changes nothing except your own understanding.
"""

import jax, jax.numpy as jnp
import numpy as np

N_STATES = 2
N_OBVS = 6
BATCH = 16384
HIST = 200


def setup_inputs(seed: int = 0) -> dict:
    key = jax.random.key(seed)
    k1, k2, k3 = jax.random.split(key, 3)
    state = jax.random.randint(k1, (BATCH, HIST), 0, N_STATES, dtype=jnp.int64 if jax.config.jax_enable_x64 else jnp.int32).astype(jnp.int32)
    obs = jax.random.randint(k2, (BATCH, HIST), 0, N_OBVS, dtype=jnp.int32)
    # learned parameter: log emission table [n_states, n_obvs], row-normalized in log space
    raw = jax.random.normal(k3, (N_STATES, N_OBVS), dtype=jnp.float32)
    log_em = jax.nn.log_softmax(raw, axis=-1)
    return {"state": state, "obs": obs, "log_em": log_em}


def reference(state, obs, log_em):
    # emission(state, obs) with both state and obs given:
    #   return self.log_em[state, obs]  -> elementwise fancy-index gather
    return log_em[state, obs]

if __name__ == "__main__":
    import jax
    _d = setup_inputs()
    print(jax.jit(kernel)(*tuple(_d.values())))

</pallas_src>

<mosaic_0001>
#map = affine_map<(d0, d1) -> (0, 0)>
module attributes {stable_mosaic.version = 14 : i64} {
  func.func @sc_lookup(%arg0: i32, %arg1: i32, %arg2: memref<200x16384xi32, #tpu.memory_space<hbm>>, %arg3: memref<200x16384xi32, #tpu.memory_space<hbm>>, %arg4: memref<2x6xf32, #tpu.memory_space<hbm>>, %arg5: memref<200x16384xf32, #tpu.memory_space<hbm>>, %arg6: memref<40x512xi32, #tpu.memory_space<vmem>>, %arg7: memref<40x512xi32, #tpu.memory_space<vmem>>, %arg8: memref<40x512xi32, #tpu.memory_space<vmem>>, %arg9: memref<40x512xi32, #tpu.memory_space<vmem>>, %arg10: memref<40x512xf32, #tpu.memory_space<vmem>>, %arg11: memref<40x512xf32, #tpu.memory_space<vmem>>, %arg12: memref<16xf32, #tpu.memory_space<vmem>>, %arg13: memref<2x6xf32, #tpu.memory_space<vmem>>, %arg14: memref<!tpu.dma_semaphore, #tpu.memory_space<semaphore_mem>>, %arg15: memref<!tpu.dma_semaphore, #tpu.memory_space<semaphore_mem>>, %arg16: memref<!tpu.dma_semaphore, #tpu.memory_space<semaphore_mem>>, %arg17: memref<!tpu.dma_semaphore, #tpu.memory_space<semaphore_mem>>) attributes {dimension_semantics = [#tpu.dimension_semantics<core_parallel>, #tpu.dimension_semantics<subcore_parallel>], iteration_bounds = array<i64: 2, 16>, scalar_prefetch = 0 : i64, scratch_operands = 12 : i64, tpu.core_type = #tpu.core_type<sc_vector_subcore>, window_params = [{transform_indices = #map}, {transform_indices = #map}, {transform_indices = #map}, {transform_indices = #map}]} {
    %mul3A = arith.constant 2 : i32
    %mul3A_0 = arith.muli %arg1, %mul3A : i32
    %add3A = arith.addi %mul3A_0, %arg0 : i32
    %mul3A_1 = arith.constant 512 : i32
    %mul3A_2 = arith.muli %add3A, %mul3A_1 : i32
    %dma_start3A = arith.constant 0 : i32
    %dma_start3A_3 = tpu.memref_slice %arg2[%dma_start3A, %mul3A_2] : memref<200x16384xi32, #tpu.memory_space<hbm>> -> memref<40x512xi32, #tpu.memory_space<hbm>>
    %dma_start3A_4 = arith.constant 0 : i32
    %dma_start3A_5 = tpu.memref_slice %arg2[%dma_start3A_4, %mul3A_2] : memref<200x16384xi32, #tpu.memory_space<hbm>> -> memref<40x512xi32, #tpu.memory_space<hbm>>
    tpu.enqueue_dma source(%dma_start3A_5 : memref<40x512xi32, #tpu.memory_space<hbm>>) target(%arg6 : memref<40x512xi32, #tpu.memory_space<vmem>>) target_semaphore(%arg14 : memref<!tpu.dma_semaphore, #tpu.memory_space<semaphore_mem>>)
    %dma_start3A_6 = arith.constant 0 : i32
    %dma_start3A_7 = tpu.memref_slice %arg3[%dma_start3A_6, %mul3A_2] : memref<200x16384xi32, #tpu.memory_space<hbm>> -> memref<40x512xi32, #tpu.memory_space<hbm>>
    %dma_start3A_8 = arith.constant 0 : i32
    %dma_start3A_9 = tpu.memref_slice %arg3[%dma_start3A_8, %mul3A_2] : memref<200x16384xi32, #tpu.memory_space<hbm>> -> memref<40x512xi32, #tpu.memory_space<hbm>>
    tpu.enqueue_dma source(%dma_start3A_9 : memref<40x512xi32, #tpu.memory_space<hbm>>) target(%arg8 : memref<40x512xi32, #tpu.memory_space<vmem>>) target_semaphore(%arg14 : memref<!tpu.dma_semaphore, #tpu.memory_space<semaphore_mem>>)
    "tpu.region"() ({
      %run_scoped3A = tpu.sem_alloc : memref<!tpu.dma_semaphore, #tpu.memory_space<semaphore_mem>>
      tpu.enqueue_dma source(%arg4 : memref<2x6xf32, #tpu.memory_space<hbm>>) target(%arg13 : memref<2x6xf32, #tpu.memory_space<vmem>>) target_semaphore(%run_scoped3A : memref<!tpu.dma_semaphore, #tpu.memory_space<semaphore_mem>>)
      tpu.wait_dma2 semaphore(%run_scoped3A : memref<!tpu.dma_semaphore, #tpu.memory_space<semaphore_mem>>) src(%arg4 : memref<2x6xf32, #tpu.memory_space<hbm>>) dst(%arg13 : memref<2x6xf32, #tpu.memory_space<vmem>>)
      tpu.yield
    }) : () -> ()
    %iota3A = tpu.iota {dimensions = array<i32: 0>} : vector<16xi32>
    %lt3A = arith.constant 12 : i32
    %lt3A_10 = vector.broadcast %lt3A : i32 to vector<16xi32>
    %lt3A_11 = arith.cmpi slt, %iota3A, %lt3A_10 : vector<16xi32>
    %jit3A = arith.constant 6 : i32
    %div3A = vector.broadcast %jit3A : i32 to vector<16xi32>
    %div3A_12 = arith.divsi %iota3A, %div3A : vector<16xi32>
    %sign3A = arith.constant 0 : i32
    %sign3A_13 = vector.broadcast %sign3A : i32 to vector<16xi32>
    %sign3A_14 = arith.cmpi sgt, %iota3A, %sign3A_13 : vector<16xi32>
    %sign3A_15 = arith.extui %sign3A_14 : vector<16xi1> to vector<16xi32>
    %sign3A_16 = arith.constant 0 : i32
    %sign3A_17 = vector.broadcast %sign3A_16 : i32 to vector<16xi32>
    %sign3A_18 = arith.cmpi slt, %iota3A, %sign3A_17 : vector<16xi32>
    %sign3A_19 = arith.extui %sign3A_18 : vector<16xi1> to vector<16xi32>
    %sign3A_20 = arith.subi %sign3A_15, %sign3A_19 : vector<16xi32>
    %sign3A_21 = arith.constant 0 : i32
    %sign3A_22 = arith.cmpi sgt, %jit3A, %sign3A_21 : i32
    %sign3A_23 = arith.extui %sign3A_22 : i1 to i32
    %sign3A_24 = arith.constant 0 : i32
    %sign3A_25 = arith.cmpi slt, %jit3A, %sign3A_24 : i32
    %sign3A_26 = arith.extui %sign3A_25 : i1 to i32
    %sign3A_27 = arith.subi %sign3A_23, %sign3A_26 : i32
    %ne3A = vector.broadcast %sign3A_27 : i32 to vector<16xi32>
    %ne3A_28 = arith.cmpi ne, %sign3A_20, %ne3A : vector<16xi32>
    %rem3A = vector.broadcast %jit3A : i32 to vector<16xi32>
    %rem3A_29 = arith.remsi %iota3A, %rem3A : vector<16xi32>
    %ne3A_30 = arith.constant 0 : i32
    %ne3A_31 = vector.broadcast %ne3A_30 : i32 to vector<16xi32>
    %ne3A_32 = arith.cmpi ne, %rem3A_29, %ne3A_31 : vector<16xi32>
    %and3A = arith.andi %ne3A_28, %ne3A_32 : vector<16xi1>
    %sub3A = arith.constant 1 : i32
    %sub3A_33 = vector.broadcast %sub3A : i32 to vector<16xi32>
    %sub3A_34 = arith.subi %div3A_12, %sub3A_33 : vector<16xi32>
    %select_n3A = arith.select %and3A, %sub3A_34, %div3A_12 : vector<16xi1>, vector<16xi32>
    %jit3A_35 = arith.constant 6 : i32
    %eq3A = arith.constant 0 : i32
    %eq3A_36 = arith.cmpi eq, %jit3A_35, %eq3A : i32
    %jit3A_37 = arith.constant 1 : i32
    %select_n3A_38 = arith.select %eq3A_36, %jit3A_37, %jit3A_35 : i32
    %rem3A_39 = vector.broadcast %select_n3A_38 : i32 to vector<16xi32>
    %rem3A_40 = arith.remsi %iota3A, %rem3A_39 : vector<16xi32>
    %ne3A_41 = arith.constant 0 : i32
    %ne3A_42 = vector.broadcast %ne3A_41 : i32 to vector<16xi32>
    %ne3A_43 = arith.cmpi ne, %rem3A_40, %ne3A_42 : vector<16xi32>
    %lt3A_44 = arith.constant 0 : i32
    %lt3A_45 = vector.broadcast %lt3A_44 : i32 to vector<16xi32>
    %lt3A_46 = arith.cmpi slt, %rem3A_40, %lt3A_45 : vector<16xi32>
    %lt3A_47 = arith.constant 0 : i32
    %lt3A_48 = arith.cmpi slt, %select_n3A_38, %lt3A_47 : i32
    %ne3A_49 = vector.broadcast %lt3A_48 : i1 to vector<16xi1>
    %ne3A_50 = vector.broadcast %ne3A_49 : vector<16xi1> to vector<16xi1>
    %ne3A_51 = arith.xori %lt3A_46, %ne3A_50 : vector<16xi1>
    %and3A_52 = arith.andi %ne3A_51, %ne3A_43 : vector<16xi1>
    %add3A_53 = vector.broadcast %select_n3A_38 : i32 to vector<16xi32>
    %add3A_54 = arith.addi %rem3A_40, %add3A_53 : vector<16xi32>
    %select_n3A_55 = arith.select %and3A_52, %add3A_54, %rem3A_40 : vector<16xi1>, vector<16xi32>
    %gather3A = tpu.vector_load_idx %arg13[%select_n3A, %select_n3A_55] masked %lt3A_11 : memref<2x6xf32, #tpu.memory_space<vmem>>[vector<16xi32>, vector<16xi32>], vector<16xf32>, vector<16xi1>
    %swap3A = arith.constant 0 : index
    %swap3A_56 = tpu.vector_load %arg12[%swap3A] {strides = array<i32>} : memref<16xf32, #tpu.memory_space<vmem>>, vector<16xf32>,
    tpu.vector_store %arg12[%swap3A], %gather3A {strides = array<i32>} : memref<16xf32, #tpu.memory_space<vmem>>, vector<16xf32>,
    %dma_start3A_57 = arith.constant 40 : i32
    %dma_start3A_58 = tpu.memref_slice %arg2[%dma_start3A_57, %mul3A_2] : memref<200x16384xi32, #tpu.memory_space<hbm>> -> memref<40x512xi32, #tpu.memory_space<hbm>>
    %dma_start3A_59 = arith.constant 40 : i32
    %dma_start3A_60 = tpu.memref_slice %arg2[%dma_start3A_59, %mul3A_2] : memref<200x16384xi32, #tpu.memory_space<hbm>> -> memref<40x512xi32, #tpu.memory_space<hbm>>
    tpu.enqueue_dma source(%dma_start3A_60 : memref<40x512xi32, #tpu.memory_space<hbm>>) target(%arg7 : memref<40x512xi32, #tpu.memory_space<vmem>>) target_semaphore(%arg15 : memref<!tpu.dma_semaphore, #tpu.memory_space<semaphore_mem>>)
    %dma_start3A_61 = arith.constant 40 : i32
    %dma_start3A_62 = tpu.memref_slice %arg3[%dma_start3A_61, %mul3A_2] : memref<200x16384xi32, #tpu.memory_space<hbm>> -> memref<40x512xi32, #tpu.memory_space<hbm>>
    %dma_start3A_63 = arith.constant 40 : i32
    %dma_start3A_64 = tpu.memref_slice %arg3[%dma_start3A_63, %mul3A_2] : memref<200x16384xi32, #tpu.memory_space<hbm>> -> memref<40x512xi32, #tpu.memory_space<hbm>>
    tpu.enqueue_dma source(%dma_start3A_64 : memref<40x512xi32, #tpu.memory_space<hbm>>) target(%arg9 : memref<40x512xi32, #tpu.memory_space<vmem>>) target_semaphore(%arg15 : memref<!tpu.dma_semaphore, #tpu.memory_space<semaphore_mem>>)
    %dma_wait3A = arith.constant 0 : i32
    %dma_wait3A_65 = tpu.memref_slice %arg2[%dma_wait3A, %mul3A_2] : memref<200x16384xi32, #tpu.memory_space<hbm>> -> memref<40x512xi32, #tpu.memory_space<hbm>>
    %dma_wait3A_66 = arith.constant 0 : i32
    %dma_wait3A_67 = tpu.memref_slice %arg2[%dma_wait3A_66, %mul3A_2] : memref<200x16384xi32, #tpu.memory_space<hbm>> -> memref<40x512xi32, #tpu.memory_space<hbm>>
    tpu.wait_dma2 semaphore(%arg14 : memref<!tpu.dma_semaphore, #tpu.memory_space<semaphore_mem>>) src(%dma_wait3A_67 : memref<40x512xi32, #tpu.memory_space<hbm>>) dst(%arg6 : memref<40x512xi32, #tpu.memory_space<vmem>>)
    %dma_wait3A_68 = arith.constant 0 : i32
    %dma_wait3A_69 = tpu.memref_slice %arg3[%dma_wait3A_68, %mul3A_2] : memref<200x16384xi32, #tpu.memory_space<hbm>> -> memref<40x512xi32, #tpu.memory_space<hbm>>
    %dma_wait3A_70 = arith.constant 0 : i32
    %dma_wait3A_71 = tpu.memref_slice %arg3[%dma_wait3A_70, %mul3A_2] : memref<200x16384xi32, #tpu.memory_space<hbm>> -> memref<40x512xi32, #tpu.memory_space<hbm>>
    tpu.wait_dma2 semaphore(%arg14 : memref<!tpu.dma_semaphore, #tpu.memory_space<semaphore_mem>>) src(%dma_wait3A_71 : memref<40x512xi32, #tpu.memory_space<hbm>>) dst(%arg8 : memref<40x512xi32, #tpu.memory_space<vmem>>)
    %parallel_loop3A = arith.constant 0 : i32
    %parallel_loop3A_72 = arith.constant 1280 : i32
    %parallel_loop3A_73 = arith.constant 1 : i32
    scf.for %parallel_loop3A_182 = %parallel_loop3A to %parallel_loop3A_72 step %parallel_loop3A_73  : i32 {
      %parallel_loop3A_183 = arith.constant 32 : i32
      %parallel_loop3A_184 = arith.divsi %parallel_loop3A_182, %parallel_loop3A_183 : i32
      %parallel_loop3A_185 = arith.constant 0 : i32
      %parallel_loop3A_186 = arith.cmpi sgt, %parallel_loop3A_182, %parallel_loop3A_185 : i32
      %parallel_loop3A_187 = arith.extui %parallel_loop3A_186 : i1 to i32
      %parallel_loop3A_188 = arith.constant 0 : i32
      %parallel_loop3A_189 = arith.cmpi slt, %parallel_loop3A_182, %parallel_loop3A_188 : i32
      %parallel_loop3A_190 = arith.extui %parallel_loop3A_189 : i1 to i32
      %parallel_loop3A_191 = arith.subi %parallel_loop3A_187, %parallel_loop3A_190 : i32
      %parallel_loop3A_192 = arith.constant 0 : i32
      %parallel_loop3A_193 = arith.cmpi sgt, %parallel_loop3A_183, %parallel_loop3A_192 : i32
      %parallel_loop3A_194 = arith.extui %parallel_loop3A_193 : i1 to i32
      %parallel_loop3A_195 = arith.constant 0 : i32
      %parallel_loop3A_196 = arith.cmpi slt, %parallel_loop3A_183, %parallel_loop3A_195 : i32
      %parallel_loop3A_197 = arith.extui %parallel_loop3A_196 : i1 to i32
      %parallel_loop3A_198 = arith.subi %parallel_loop3A_194, %parallel_loop3A_197 : i32
      %parallel_loop3A_199 = arith.cmpi ne, %parallel_loop3A_191, %parallel_loop3A_198 : i32
      %parallel_loop3A_200 = arith.remsi %parallel_loop3A_182, %parallel_loop3A_183 : i32
      %parallel_loop3A_201 = arith.constant 0 : i32
      %parallel_loop3A_202 = arith.cmpi ne, %parallel_loop3A_200, %parallel_loop3A_201 : i32
      %parallel_loop3A_203 = arith.andi %parallel_loop3A_199, %parallel_loop3A_202 : i1
      %parallel_loop3A_204 = arith.constant 1 : i32
      %parallel_loop3A_205 = arith.subi %parallel_loop3A_184, %parallel_loop3A_204 : i32
      %parallel_loop3A_206 = arith.select %parallel_loop3A_203, %parallel_loop3A_205, %parallel_loop3A_184 : i32
      %parallel_loop3A_207 = arith.constant 32 : i32
      %parallel_loop3A_208 = arith.constant 0 : i32
      %parallel_loop3A_209 = arith.cmpi eq, %parallel_loop3A_207, %parallel_loop3A_208 : i32
      %parallel_loop3A_210 = arith.constant 1 : i32
      %parallel_loop3A_211 = arith.select %parallel_loop3A_209, %parallel_loop3A_210, %parallel_loop3A_207 : i32
      %parallel_loop3A_212 = arith.remsi %parallel_loop3A_182, %parallel_loop3A_211 : i32
      %parallel_loop3A_213 = arith.constant 0 : i32
      %parallel_loop3A_214 = arith.cmpi ne, %parallel_loop3A_212, %parallel_loop3A_213 : i32
      %parallel_loop3A_215 = arith.constant 0 : i32
      %parallel_loop3A_216 = arith.cmpi slt, %parallel_loop3A_212, %parallel_loop3A_215 : i32
      %parallel_loop3A_217 = arith.constant 0 : i32
      %parallel_loop3A_218 = arith.cmpi slt, %parallel_loop3A_211, %parallel_loop3A_217 : i32
      %parallel_loop3A_219 = arith.xori %parallel_loop3A_216, %parallel_loop3A_218 : i1
      %parallel_loop3A_220 = arith.andi %parallel_loop3A_219, %parallel_loop3A_214 : i1
      %parallel_loop3A_221 = arith.addi %parallel_loop3A_212, %parallel_loop3A_211 : i32
      %parallel_loop3A_222 = arith.select %parallel_loop3A_220, %parallel_loop3A_221, %parallel_loop3A_212 : i32
      %parallel_loop3A_223 = arith.constant 16 : i32
      %parallel_loop3A_224 = arith.muli %parallel_loop3A_222, %parallel_loop3A_223 : i32
      %parallel_loop3A_225 = arith.index_cast %parallel_loop3A_206 : i32 to index
      %parallel_loop3A_226 = arith.index_cast %parallel_loop3A_224 : i32 to index
      %parallel_loop3A_227 = tpu.vector_load %arg6[%parallel_loop3A_225, %parallel_loop3A_226] {strides = array<i32>} : memref<40x512xi32, #tpu.memory_space<vmem>>, vector<16xi32>,
      %parallel_loop3A_228 = arith.constant 6 : i32
      %parallel_loop3A_229 = vector.broadcast %parallel_loop3A_228 : i32 to vector<16xi32>
      %parallel_loop3A_230 = arith.muli %parallel_loop3A_227, %parallel_loop3A_229 : vector<16xi32>
      %parallel_loop3A_231 = arith.index_cast %parallel_loop3A_206 : i32 to index
      %parallel_loop3A_232 = arith.index_cast %parallel_loop3A_224 : i32 to index
      %parallel_loop3A_233 = tpu.vector_load %arg8[%parallel_loop3A_231, %parallel_loop3A_232] {strides = array<i32>} : memref<40x512xi32, #tpu.memory_space<vmem>>, vector<16xi32>,
      %parallel_loop3A_234 = arith.addi %parallel_loop3A_230, %parallel_loop3A_233 : vector<16xi32>
      %parallel_loop3A_235 = tpu.vector_load_idx %arg12[%parallel_loop3A_234] : memref<16xf32, #tpu.memory_space<vmem>>[vector<16xi32>], vector<16xf32>,
      %parallel_loop3A_236 = arith.index_cast %parallel_loop3A_206 : i32 to index
      %parallel_loop3A_237 = arith.index_cast %parallel_loop3A_224 : i32 to index
      %parallel_loop3A_238 = tpu.vector_load %arg10[%parallel_loop3A_236, %parallel_loop3A_237] {strides = array<i32>} : memref<40x512xf32, #tpu.memory_space<vmem>>, vector<16xf32>,
      tpu.vector_store %arg10[%parallel_loop3A_236, %parallel_loop3A_237], %parallel_loop3A_235 {strides = array<i32>} : memref<40x512xf32, #tpu.memory_space<vmem>>, vector<16xf32>,
    } {sc.loop_unroll_factor = 4 : i64, sc.parallel_access}
    %dma_start3A_74 = arith.constant 0 : i32
    %dma_start3A_75 = tpu.memref_slice %arg5[%dma_start3A_74, %mul3A_2] : memref<200x16384xf32, #tpu.memory_space<hbm>> -> memref<40x512xf32, #tpu.memory_space<hbm>>
    %dma_start3A_76 = arith.constant 0 : i32
    %dma_start3A_77 = tpu.memref_slice %arg5[%dma_start3A_76, %mul3A_2] : memref<200x16384xf32, #tpu.memory_space<hbm>> -> memref<40x512xf32, #tpu.memory_space<hbm>>
    tpu.enqueue_dma source(%arg10 : memref<40x512xf32, #tpu.memory_space<vmem>>) target(%dma_start3A_77 : memref<40x512xf32, #tpu.memory_space<hbm>>) target_semaphore(%arg16 : memref<!tpu.dma_semaphore, #tpu.memory_space<semaphore_mem>>)
    %dma_start3A_78 = arith.constant 80 : i32
    %dma_start3A_79 = tpu.memref_slice %arg2[%dma_start3A_78, %mul3A_2] : memref<200x16384xi32, #tpu.memory_space<hbm>> -> memref<40x512xi32, #tpu.memory_space<hbm>>
    %dma_start3A_80 = arith.constant 80 : i32
    %dma_start3A_81 = tpu.memref_slice %arg2[%dma_start3A_80, %mul3A_2] : memref<200x16384xi32, #tpu.memory_space<hbm>> -> memref<40x512xi32, #tpu.memory_space<hbm>>
    tpu.enqueue_dma source(%dma_start3A_81 : memref<40x512xi32, #tpu.memory_space<hbm>>) target(%arg6 : memref<40x512xi32, #tpu.memory_space<vmem>>) target_semaphore(%arg14 : memref<!tpu.dma_semaphore, #tpu.memory_space<semaphore_mem>>)
    %dma_start3A_82 = arith.constant 80 : i32
    %dma_start3A_83 = tpu.memref_slice %arg3[%dma_start3A_82, %mul3A_2] : memref<200x16384xi32, #tpu.memory_space<hbm>> -> memref<40x512xi32, #tpu.memory_space<hbm>>
    %dma_start3A_84 = arith.constant 80 : i32
    %dma_start3A_85 = tpu.memref_slice %arg3[%dma_start3A_84, %mul3A_2] : memref<200x16384xi32, #tpu.memory_space<hbm>> -> memref<40x512xi32, #tpu.memory_space<hbm>>
    tpu.enqueue_dma source(%dma_start3A_85 : memref<40x512xi32, #tpu.memory_space<hbm>>) target(%arg8 : memref<40x512xi32, #tpu.memory_space<vmem>>) target_semaphore(%arg14 : memref<!tpu.dma_semaphore, #tpu.memory_space<semaphore_mem>>)
    %dma_wait3A_86 = arith.constant 40 : i32
    %dma_wait3A_87 = tpu.memref_slice %arg2[%dma_wait3A_86, %mul3A_2] : memref<200x16384xi32, #tpu.memory_space<hbm>> -> memref<40x512xi32, #tpu.memory_space<hbm>>
    %dma_wait3A_88 = arith.constant 40 : i32
    %dma_wait3A_89 = tpu.memref_slice %arg2[%dma_wait3A_88, %mul3A_2] : memref<200x16384xi32, #tpu.memory_space<hbm>> -> memref<40x512xi32, #tpu.memory_space<hbm>>
    tpu.wait_dma2 semaphore(%arg15 : memref<!tpu.dma_semaphore, #tpu.memory_space<semaphore_mem>>) src(%dma_wait3A_89 : memref<40x512xi32, #tpu.memory_space<hbm>>) dst(%arg7 : memref<40x512xi32, #tpu.memory_space<vmem>>)
    %dma_wait3A_90 = arith.constant 40 : i32
    %dma_wait3A_91 = tpu.memref_slice %arg3[%dma_wait3A_90, %mul3A_2] : memref<200x16384xi32, #tpu.memory_space<hbm>> -> memref<40x512xi32, #tpu.memory_space<hbm>>
    %dma_wait3A_92 = arith.constant 40 : i32
    %dma_wait3A_93 = tpu.memref_slice %arg3[%dma_wait3A_92, %mul3A_2] : memref<200x16384xi32, #tpu.memory_space<hbm>> -> memref<40x512xi32, #tpu.memory_space<hbm>>
    tpu.wait_dma2 semaphore(%arg15 : memref<!tpu.dma_semaphore, #tpu.memory_space<semaphore_mem>>) src(%dma_wait3A_93 : memref<40x512xi32, #tpu.memory_space<hbm>>) dst(%arg9 : memref<40x512xi32, #tpu.memory_space<vmem>>)
    %parallel_loop3A_94 = arith.constant 0 : i32
    %parallel_loop3A_95 = arith.constant 1280 : i32
    %parallel_loop3A_96 = arith.constant 1 : i32
    scf.for %parallel_loop3A_182 = %parallel_loop3A_94 to %parallel_loop3A_95 step %parallel_loop3A_96  : i32 {
      %parallel_loop3A_183 = arith.constant 32 : i32
      %parallel_loop3A_184 = arith.divsi %parallel_loop3A_182, %parallel_loop3A_183 : i32
      %parallel_loop3A_185 = arith.constant 0 : i32
      %parallel_loop3A_186 = arith.cmpi sgt, %parallel_loop3A_182, %parallel_loop3A_185 : i32
      %parallel_loop3A_187 = arith.extui %parallel_loop3A_186 : i1 to i32
      %parallel_loop3A_188 = arith.constant 0 : i32
      %parallel_loop3A_189 = arith.cmpi slt, %parallel_loop3A_182, %parallel_loop3A_188 : i32
      %parallel_loop3A_190 = arith.extui %parallel_loop3A_189 : i1 to i32
      %parallel_loop3A_191 = arith.subi %parallel_loop3A_187, %parallel_loop3A_190 : i32
      %parallel_loop3A_192 = arith.constant 0 : i32
      %parallel_loop3A_193 = arith.cmpi sgt, %parallel_loop3A_183, %parallel_loop3A_192 : i32
      %parallel_loop3A_194 = arith.extui %parallel_loop3A_193 : i1 to i32
      %parallel_loop3A_195 = arith.constant 0 : i32
      %parallel_loop3A_196 = arith.cmpi slt, %parallel_loop3A_183, %parallel_loop3A_195 : i32
      %parallel_loop3A_197 = arith.extui %parallel_loop3A_196 : i1 to i32
      %parallel_loop3A_198 = arith.subi %parallel_loop3A_194, %parallel_loop3A_197 : i32
      %parallel_loop3A_199 = arith.cmpi ne, %parallel_loop3A_191, %parallel_loop3A_198 : i32
      %parallel_loop3A_200 = arith.remsi %parallel_loop3A_182, %parallel_loop3A_183 : i32
      %parallel_loop3A_201 = arith.constant 0 : i32
      %parallel_loop3A_202 = arith.cmpi ne, %parallel_loop3A_200, %parallel_loop3A_201 : i32
      %parallel_loop3A_203 = arith.andi %parallel_loop3A_199, %parallel_loop3A_202 : i1
      %parallel_loop3A_204 = arith.constant 1 : i32
      %parallel_loop3A_205 = arith.subi %parallel_loop3A_184, %parallel_loop3A_204 : i32
      %parallel_loop3A_206 = arith.select %parallel_loop3A_203, %parallel_loop3A_205, %parallel_loop3A_184 : i32
      %parallel_loop3A_207 = arith.constant 32 : i32
      %parallel_loop3A_208 = arith.constant 0 : i32
      %parallel_loop3A_209 = arith.cmpi eq, %parallel_loop3A_207, %parallel_loop3A_208 : i32
      %parallel_loop3A_210 = arith.constant 1 : i32
      %parallel_loop3A_211 = arith.select %parallel_loop3A_209, %parallel_loop3A_210, %parallel_loop3A_207 : i32
      %parallel_loop3A_212 = arith.remsi %parallel_loop3A_182, %parallel_loop3A_211 : i32
      %parallel_loop3A_213 = arith.constant 0 : i32
      %parallel_loop3A_214 = arith.cmpi ne, %parallel_loop3A_212, %parallel_loop3A_213 : i32
      %parallel_loop3A_215 = arith.constant 0 : i32
      %parallel_loop3A_216 = arith.cmpi slt, %parallel_loop3A_212, %parallel_loop3A_215 : i32
      %parallel_loop3A_217 = arith.constant 0 : i32
      %parallel_loop3A_218 = arith.cmpi slt, %parallel_loop3A_211, %parallel_loop3A_217 : i32
      %parallel_loop3A_219 = arith.xori %parallel_loop3A_216, %parallel_loop3A_218 : i1
      %parallel_loop3A_220 = arith.andi %parallel_loop3A_219, %parallel_loop3A_214 : i1
      %parallel_loop3A_221 = arith.addi %parallel_loop3A_212, %parallel_loop3A_211 : i32
      %parallel_loop3A_222 = arith.select %parallel_loop3A_220, %parallel_loop3A_221, %parallel_loop3A_212 : i32
      %parallel_loop3A_223 = arith.constant 16 : i32
      %parallel_loop3A_224 = arith.muli %parallel_loop3A_222, %parallel_loop3A_223 : i32
      %parallel_loop3A_225 = arith.index_cast %parallel_loop3A_206 : i32 to index
      %parallel_loop3A_226 = arith.index_cast %parallel_loop3A_224 : i32 to index
      %parallel_loop3A_227 = tpu.vector_load %arg7[%parallel_loop3A_225, %parallel_loop3A_226] {strides = array<i32>} : memref<40x512xi32, #tpu.memory_space<vmem>>, vector<16xi32>,
      %parallel_loop3A_228 = arith.constant 6 : i32
      %parallel_loop3A_229 = vector.broadcast %parallel_loop3A_228 : i32 to vector<16xi32>
      %parallel_loop3A_230 = arith.muli %parallel_loop3A_227, %parallel_loop3A_229 : vector<16xi32>
      %parallel_loop3A_231 = arith.index_cast %parallel_loop3A_206 : i32 to index
      %parallel_loop3A_232 = arith.index_cast %parallel_loop3A_224 : i32 to index
      %parallel_loop3A_233 = tpu.vector_load %arg9[%parallel_loop3A_231, %parallel_loop3A_232] {strides = array<i32>} : memref<40x512xi32, #tpu.memory_space<vmem>>, vector<16xi32>,
      %parallel_loop3A_234 = arith.addi %parallel_loop3A_230, %parallel_loop3A_233 : vector<16xi32>
      %parallel_loop3A_235 = tpu.vector_load_idx %arg12[%parallel_loop3A_234] : memref<16xf32, #tpu.memory_space<vmem>>[vector<16xi32>], vector<16xf32>,
      %parallel_loop3A_236 = arith.index_cast %parallel_loop3A_206 : i32 to index
      %parallel_loop3A_237 = arith.index_cast %parallel_loop3A_224 : i32 to index
      %parallel_loop3A_238 = tpu.vector_load %arg11[%parallel_loop3A_236, %parallel_loop3A_237] {strides = array<i32>} : memref<40x512xf32, #tpu.memory_space<vmem>>, vector<16xf32>,
      tpu.vector_store %arg11[%parallel_loop3A_236, %parallel_loop3A_237], %parallel_loop3A_235 {strides = array<i32>} : memref<40x512xf32, #tpu.memory_space<vmem>>, vector<16xf32>,
    } {sc.loop_unroll_factor = 4 : i64, sc.parallel_access}
    %dma_start3A_97 = arith.constant 40 : i32
    %dma_start3A_98 = tpu.memref_slice %arg5[%dma_start3A_97, %mul3A_2] : memref<200x16384xf32, #tpu.memory_space<hbm>> -> memref<40x512xf32, #tpu.memory_space<hbm>>
    %dma_start3A_99 = arith.constant 40 : i32
    %dma_start3A_100 = tpu.memref_slice %arg5[%dma_start3A_99, %mul3A_2] : memref<200x16384xf32, #tpu.memory_space<hbm>> -> memref<40x512xf32, #tpu.memory_space<hbm>>
    tpu.enqueue_dma source(%arg11 : memref<40x512xf32, #tpu.memory_space<vmem>>) target(%dma_start3A_100 : memref<40x512xf32, #tpu.memory_space<hbm>>) target_semaphore(%arg17 : memref<!tpu.dma_semaphore, #tpu.memory_space<semaphore_mem>>)
    %dma_start3A_101 = arith.constant 120 : i32
    %dma_start3A_102 = tpu.memref_slice %arg2[%dma_start3A_101, %mul3A_2] : memref<200x16384xi32, #tpu.memory_space<hbm>> -> memref<40x512xi32, #tpu.memory_space<hbm>>
    %dma_start3A_103 = arith.constant 120 : i32
    %dma_start3A_104 = tpu.memref_slice %arg2[%dma_start3A_103, %mul3A_2] : memref<200x16384xi32, #tpu.memory_space<hbm>> -> memref<40x512xi32, #tpu.memory_space<hbm>>
    tpu.enqueue_dma source(%dma_start3A_104 : memref<40x512xi32, #tpu.memory_space<hbm>>) target(%arg7 : memref<40x512xi32, #tpu.memory_space<vmem>>) target_semaphore(%arg15 : memref<!tpu.dma_semaphore, #tpu.memory_space<semaphore_mem>>)
    %dma_start3A_105 = arith.constant 120 : i32
    %dma_start3A_106 = tpu.memref_slice %arg3[%dma_start3A_105, %mul3A_2] : memref<200x16384xi32, #tpu.memory_space<hbm>> -> memref<40x512xi32, #tpu.memory_space<hbm>>
    %dma_start3A_107 = arith.constant 120 : i32
    %dma_start3A_108 = tpu.memref_slice %arg3[%dma_start3A_107, %mul3A_2] : memref<200x16384xi32, #tpu.memory_space<hbm>> -> memref<40x512xi32, #tpu.memory_space<hbm>>
    tpu.enqueue_dma source(%dma_start3A_108 : memref<40x512xi32, #tpu.memory_space<hbm>>) target(%arg9 : memref<40x512xi32, #tpu.memory_space<vmem>>) target_semaphore(%arg15 : memref<!tpu.dma_semaphore, #tpu.memory_space<semaphore_mem>>)
    %dma_wait3A_109 = arith.constant 80 : i32
    %dma_wait3A_110 = tpu.memref_slice %arg2[%dma_wait3A_109, %mul3A_2] : memref<200x16384xi32, #tpu.memory_space<hbm>> -> memref<40x512xi32, #tpu.memory_space<hbm>>
    %dma_wait3A_111 = arith.constant 80 : i32
    %dma_wait3A_112 = tpu.memref_slice %arg2[%dma_wait3A_111, %mul3A_2] : memref<200x16384xi32, #tpu.memory_space<hbm>> -> memref<40x512xi32, #tpu.memory_space<hbm>>
    tpu.wait_dma2 semaphore(%arg14 : memref<!tpu.dma_semaphore, #tpu.memory_space<semaphore_mem>>) src(%dma_wait3A_112 : memref<40x512xi32, #tpu.memory_space<hbm>>) dst(%arg6 : memref<40x512xi32, #tpu.memory_space<vmem>>)
    %dma_wait3A_113 = arith.constant 80 : i32
    %dma_wait3A_114 = tpu.memref_slice %arg3[%dma_wait3A_113, %mul3A_2] : memref<200x16384xi32, #tpu.memory_space<hbm>> -> memref<40x512xi32, #tpu.memory_space<hbm>>
    %dma_wait3A_115 = arith.constant 80 : i32
    %dma_wait3A_116 = tpu.memref_slice %arg3[%dma_wait3A_115, %mul3A_2] : memref<200x16384xi32, #tpu.memory_space<hbm>> -> memref<40x512xi32, #tpu.memory_space<hbm>>
    tpu.wait_dma2 semaphore(%arg14 : memref<!tpu.dma_semaphore, #tpu.memory_space<semaphore_mem>>) src(%dma_wait3A_116 : memref<40x512xi32, #tpu.memory_space<hbm>>) dst(%arg8 : memref<40x512xi32, #tpu.memory_space<vmem>>)
    %dma_wait3A_117 = arith.constant 0 : i32
    %dma_wait3A_118 = tpu.memref_slice %arg5[%dma_wait3A_117, %mul3A_2] : memref<200x16384xf32, #tpu.memory_space<hbm>> -> memref<40x512xf32, #tpu.memory_space<hbm>>
    %dma_wait3A_119 = arith.constant 0 : i32
    %dma_wait3A_120 = tpu.memref_slice %arg5[%dma_wait3A_119, %mul3A_2] : memref<200x16384xf32, #tpu.memory_space<hbm>> -> memref<40x512xf32, #tpu.memory_space<hbm>>
    tpu.wait_dma2 semaphore(%arg16 : memref<!tpu.dma_semaphore, #tpu.memory_space<semaphore_mem>>) src(%arg10 : memref<40x512xf32, #tpu.memory_space<vmem>>) dst(%dma_wait3A_120 : memref<40x512xf32, #tpu.memory_space<hbm>>)
    %parallel_loop3A_121 = arith.constant 0 : i32
    %parallel_loop3A_122 = arith.constant 1280 : i32
    %parallel_loop3A_123 = arith.constant 1 : i32
    scf.for %parallel_loop3A_182 = %parallel_loop3A_121 to %parallel_loop3A_122 step %parallel_loop3A_123  : i32 {
      %parallel_loop3A_183 = arith.constant 32 : i32
      %parallel_loop3A_184 = arith.divsi %parallel_loop3A_182, %parallel_loop3A_183 : i32
      %parallel_loop3A_185 = arith.constant 0 : i32
      %parallel_loop3A_186 = arith.cmpi sgt, %parallel_loop3A_182, %parallel_loop3A_185 : i32
      %parallel_loop3A_187 = arith.extui %parallel_loop3A_186 : i1 to i32
      %parallel_loop3A_188 = arith.constant 0 : i32
      %parallel_loop3A_189 = arith.cmpi slt, %parallel_loop3A_182, %parallel_loop3A_188 : i32
      %parallel_loop3A_190 = arith.extui %parallel_loop3A_189 : i1 to i32
      %parallel_loop3A_191 = arith.subi %parallel_loop3A_187, %parallel_loop3A_190 : i32
      %parallel_loop3A_192 = arith.constant 0 : i32
      %parallel_loop3A_193 = arith.cmpi sgt, %parallel_loop3A_183, %parallel_loop3A_192 : i32
      %parallel_loop3A_194 = arith.extui %parallel_loop3A_193 : i1 to i32
      %parallel_loop3A_195 = arith.constant 0 : i32
      %parallel_loop3A_196 = arith.cmpi slt, %parallel_loop3A_183, %parallel_loop3A_195 : i32
      %parallel_loop3A_197 = arith.extui %parallel_loop3A_196 : i1 to i32
      %parallel_loop3A_198 = arith.subi %parallel_loop3A_194, %parallel_loop3A_197 : i32
      %parallel_loop3A_199 = arith.cmpi ne, %parallel_loop3A_191, %parallel_loop3A_198 : i32
      %parallel_loop3A_200 = arith.remsi %parallel_loop3A_182, %parallel_loop3A_183 : i32
      %parallel_loop3A_201 = arith.constant 0 : i32
      %parallel_loop3A_202 = arith.cmpi ne, %parallel_loop3A_200, %parallel_loop3A_201 : i32
      %parallel_loop3A_203 = arith.andi %parallel_loop3A_199, %parallel_loop3A_202 : i1
      %parallel_loop3A_204 = arith.constant 1 : i32
      %parallel_loop3A_205 = arith.subi %parallel_loop3A_184, %parallel_loop3A_204 : i32
      %parallel_loop3A_206 = arith.select %parallel_loop3A_203, %parallel_loop3A_205, %parallel_loop3A_184 : i32
      %parallel_loop3A_207 = arith.constant 32 : i32
      %parallel_loop3A_208 = arith.constant 0 : i32
      %parallel_loop3A_209 = arith.cmpi eq, %parallel_loop3A_207, %parallel_loop3A_208 : i32
      %parallel_loop3A_210 = arith.constant 1 : i32
      %parallel_loop3A_211 = arith.select %parallel_loop3A_209, %parallel_loop3A_210, %parallel_loop3A_207 : i32
      %parallel_loop3A_212 = arith.remsi %parallel_loop3A_182, %parallel_loop3A_211 : i32
      %parallel_loop3A_213 = arith.constant 0 : i32
      %parallel_loop3A_214 = arith.cmpi ne, %parallel_loop3A_212, %parallel_loop3A_213 : i32
      %parallel_loop3A_215 = arith.constant 0 : i32
      %parallel_loop3A_216 = arith.cmpi slt, %parallel_loop3A_212, %parallel_loop3A_215 : i32
      %parallel_loop3A_217 = arith.constant 0 : i32
      %parallel_loop3A_218 = arith.cmpi slt, %parallel_loop3A_211, %parallel_loop3A_217 : i32
      %parallel_loop3A_219 = arith.xori %parallel_loop3A_216, %parallel_loop3A_218 : i1
      %parallel_loop3A_220 = arith.andi %parallel_loop3A_219, %parallel_loop3A_214 : i1
      %parallel_loop3A_221 = arith.addi %parallel_loop3A_212, %parallel_loop3A_211 : i32
      %parallel_loop3A_222 = arith.select %parallel_loop3A_220, %parallel_loop3A_221, %parallel_loop3A_212 : i32
      %parallel_loop3A_223 = arith.constant 16 : i32
      %parallel_loop3A_224 = arith.muli %parallel_loop3A_222, %parallel_loop3A_223 : i32
      %parallel_loop3A_225 = arith.index_cast %parallel_loop3A_206 : i32 to index
      %parallel_loop3A_226 = arith.index_cast %parallel_loop3A_224 : i32 to index
      %parallel_loop3A_227 = tpu.vector_load %arg6[%parallel_loop3A_225, %parallel_loop3A_226] {strides = array<i32>} : memref<40x512xi32, #tpu.memory_space<vmem>>, vector<16xi32>,
      %parallel_loop3A_228 = arith.constant 6 : i32
      %parallel_loop3A_229 = vector.broadcast %parallel_loop3A_228 : i32 to vector<16xi32>
      %parallel_loop3A_230 = arith.muli %parallel_loop3A_227, %parallel_loop3A_229 : vector<16xi32>
      %parallel_loop3A_231 = arith.index_cast %parallel_loop3A_206 : i32 to index
      %parallel_loop3A_232 = arith.index_cast %parallel_loop3A_224 : i32 to index
      %parallel_loop3A_233 = tpu.vector_load %arg8[%parallel_loop3A_231, %parallel_loop3A_232] {strides = array<i32>} : memref<40x512xi32, #tpu.memory_space<vmem>>, vector<16xi32>,
      %parallel_loop3A_234 = arith.addi %parallel_loop3A_230, %parallel_loop3A_233 : vector<16xi32>
      %parallel_loop3A_235 = tpu.vector_load_idx %arg12[%parallel_loop3A_234] : memref<16xf32, #tpu.memory_space<vmem>>[vector<16xi32>], vector<16xf32>,
      %parallel_loop3A_236 = arith.index_cast %parallel_loop3A_206 : i32 to index
      %parallel_loop3A_237 = arith.index_cast %parallel_loop3A_224 : i32 to index
      %parallel_loop3A_238 = tpu.vector_load %arg10[%parallel_loop3A_236, %parallel_loop3A_237] {strides = array<i32>} : memref<40x512xf32, #tpu.memory_space<vmem>>, vector<16xf32>,
      tpu.vector_store %arg10[%parallel_loop3A_236, %parallel_loop3A_237], %parallel_loop3A_235 {strides = array<i32>} : memref<40x512xf32, #tpu.memory_space<vmem>>, vector<16xf32>,
    } {sc.loop_unroll_factor = 4 : i64, sc.parallel_access}
    %dma_start3A_124 = arith.constant 80 : i32
    %dma_start3A_125 = tpu.memref_slice %arg5[%dma_start3A_124, %mul3A_2] : memref<200x16384xf32, #tpu.memory_space<hbm>> -> memref<40x512xf32, #tpu.memory_space<hbm>>
    %dma_start3A_126 = arith.constant 80 : i32
    %dma_start3A_127 = tpu.memref_slice %arg5[%dma_start3A_126, %mul3A_2] : memref<200x16384xf32, #tpu.memory_space<hbm>> -> memref<40x512xf32, #tpu.memory_space<hbm>>
    tpu.enqueue_dma source(%arg10 : memref<40x512xf32, #tpu.memory_space<vmem>>) target(%dma_start3A_127 : memref<40x512xf32, #tpu.memory_space<hbm>>) target_semaphore(%arg16 : memref<!tpu.dma_semaphore, #tpu.memory_space<semaphore_mem>>)
    %dma_start3A_128 = arith.constant 160 : i32
    %dma_start3A_129 = tpu.memref_slice %arg2[%dma_start3A_128, %mul3A_2] : memref<200x16384xi32, #tpu.memory_space<hbm>> -> memref<40x512xi32, #tpu.memory_space<hbm>>
    %dma_start3A_130 = arith.constant 160 : i32
    %dma_start3A_131 = tpu.memref_slice %arg2[%dma_start3A_130, %mul3A_2] : memref<200x16384xi32, #tpu.memory_space<hbm>> -> memref<40x512xi32, #tpu.memory_space<hbm>>
    tpu.enqueue_dma source(%dma_start3A_131 : memref<40x512xi32, #tpu.memory_space<hbm>>) target(%arg6 : memref<40x512xi32, #tpu.memory_space<vmem>>) target_semaphore(%arg14 : memref<!tpu.dma_semaphore, #tpu.memory_space<semaphore_mem>>)
    %dma_start3A_132 = arith.constant 160 : i32
    %dma_start3A_133 = tpu.memref_slice %arg3[%dma_start3A_132, %mul3A_2] : memref<200x16384xi32, #tpu.memory_space<hbm>> -> memref<40x512xi32, #tpu.memory_space<hbm>>
    %dma_start3A_134 = arith.constant 160 : i32
    %dma_start3A_135 = tpu.memref_slice %arg3[%dma_start3A_134, %mul3A_2] : memref<200x16384xi32, #tpu.memory_space<hbm>> -> memref<40x512xi32, #tpu.memory_space<hbm>>
    tpu.enqueue_dma source(%dma_start3A_135 : memref<40x512xi32, #tpu.memory_space<hbm>>) target(%arg8 : memref<40x512xi32, #tpu.memory_space<vmem>>) target_semaphore(%arg14 : memref<!tpu.dma_semaphore, #tpu.memory_space<semaphore_mem>>)
    %dma_wait3A_136 = arith.constant 120 : i32
    %dma_wait3A_137 = tpu.memref_slice %arg2[%dma_wait3A_136, %mul3A_2] : memref<200x16384xi32, #tpu.memory_space<hbm>> -> memref<40x512xi32, #tpu.memory_space<hbm>>
    %dma_wait3A_138 = arith.constant 120 : i32
    %dma_wait3A_139 = tpu.memref_slice %arg2[%dma_wait3A_138, %mul3A_2] : memref<200x16384xi32, #tpu.memory_space<hbm>> -> memref<40x512xi32, #tpu.memory_space<hbm>>
    tpu.wait_dma2 semaphore(%arg15 : memref<!tpu.dma_semaphore, #tpu.memory_space<semaphore_mem>>) src(%dma_wait3A_139 : memref<40x512xi32, #tpu.memory_space<hbm>>) dst(%arg7 : memref<40x512xi32, #tpu.memory_space<vmem>>)
    %dma_wait3A_140 = arith.constant 120 : i32
    %dma_wait3A_141 = tpu.memref_slice %arg3[%dma_wait3A_140, %mul3A_2] : memref<200x16384xi32, #tpu.memory_space<hbm>> -> memref<40x512xi32, #tpu.memory_space<hbm>>
    %dma_wait3A_142 = arith.constant 120 : i32
    %dma_wait3A_143 = tpu.memref_slice %arg3[%dma_wait3A_142, %mul3A_2] : memref<200x16384xi32, #tpu.memory_space<hbm>> -> memref<40x512xi32, #tpu.memory_space<hbm>>
    tpu.wait_dma2 semaphore(%arg15 : memref<!tpu.dma_semaphore, #tpu.memory_space<semaphore_mem>>) src(%dma_wait3A_143 : memref<40x512xi32, #tpu.memory_space<hbm>>) dst(%arg9 : memref<40x512xi32, #tpu.memory_space<vmem>>)
    %dma_wait3A_144 = arith.constant 40 : i32
    %dma_wait3A_145 = tpu.memref_slice %arg5[%dma_wait3A_144, %mul3A_2] : memref<200x16384xf32, #tpu.memory_space<hbm>> -> memref<40x512xf32, #tpu.memory_space<hbm>>
    %dma_wait3A_146 = arith.constant 40 : i32
    %dma_wait3A_147 = tpu.memref_slice %arg5[%dma_wait3A_146, %mul3A_2] : memref<200x16384xf32, #tpu.memory_space<hbm>> -> memref<40x512xf32, #tpu.memory_space<hbm>>
    tpu.wait_dma2 semaphore(%arg17 : memref<!tpu.dma_semaphore, #tpu.memory_space<semaphore_mem>>) src(%arg11 : memref<40x512xf32, #tpu.memory_space<vmem>>) dst(%dma_wait3A_147 : memref<40x512xf32, #tpu.memory_space<hbm>>)
    %parallel_loop3A_148 = arith.constant 0 : i32
    %parallel_loop3A_149 = arith.constant 1280 : i32
    %parallel_loop3A_150 = arith.constant 1 : i32
    scf.for %parallel_loop3A_182 = %parallel_loop3A_148 to %parallel_loop3A_149 step %parallel_loop3A_150  : i32 {
      %parallel_loop3A_183 = arith.constant 32 : i32
      %parallel_loop3A_184 = arith.divsi %parallel_loop3A_182, %parallel_loop3A_183 : i32
      %parallel_loop3A_185 = arith.constant 0 : i32
      %parallel_loop3A_186 = arith.cmpi sgt, %parallel_loop3A_182, %parallel_loop3A_185 : i32
      %parallel_loop3A_187 = arith.extui %parallel_loop3A_186 : i1 to i32
      %parallel_loop3A_188 = arith.constant 0 : i32
      %parallel_loop3A_189 = arith.cmpi slt, %parallel_loop3A_182, %parallel_loop3A_188 : i32
      %parallel_loop3A_190 = arith.extui %parallel_loop3A_189 : i1 to i32
      %parallel_loop3A_191 = arith.subi %parallel_loop3A_187, %parallel_loop3A_190 : i32
      %parallel_loop3A_192 = arith.constant 0 : i32
      %parallel_loop3A_193 = arith.cmpi sgt, %parallel_loop3A_183, %parallel_loop3A_192 : i32
      %parallel_loop3A_194 = arith.extui %parallel_loop3A_193 : i1 to i32
      %parallel_loop3A_195 = arith.constant 0 : i32
      %parallel_loop3A_196 = arith.cmpi slt, %parallel_loop3A_183, %parallel_loop3A_195 : i32
      %parallel_loop3A_197 = arith.extui %parallel_loop3A_196 : i1 to i32
      %parallel_loop3A_198 = arith.subi %parallel_loop3A_194, %parallel_loop3A_197 : i32
      %parallel_loop3A_199 = arith.cmpi ne, %parallel_loop3A_191, %parallel_loop3A_198 : i32
      %parallel_loop3A_200 = arith.remsi %parallel_loop3A_182, %parallel_loop3A_183 : i32
      %parallel_loop3A_201 = arith.constant 0 : i32
      %parallel_loop3A_202 = arith.cmpi ne, %parallel_loop3A_200, %parallel_loop3A_201 : i32
      %parallel_loop3A_203 = arith.andi %parallel_loop3A_199, %parallel_loop3A_202 : i1
      %parallel_loop3A_204 = arith.constant 1 : i32
      %parallel_loop3A_205 = arith.subi %parallel_loop3A_184, %parallel_loop3A_204 : i32
      %parallel_loop3A_206 = arith.select %parallel_loop3A_203, %parallel_loop3A_205, %parallel_loop3A_184 : i32
      %parallel_loop3A_207 = arith.constant 32 : i32
      %parallel_loop3A_208 = arith.constant 0 : i32
      %parallel_loop3A_209 = arith.cmpi eq, %parallel_loop3A_207, %parallel_loop3A_208 : i32
      %parallel_loop3A_210 = arith.constant 1 : i32
      %parallel_loop3A_211 = arith.select %parallel_loop3A_209, %parallel_loop3A_210, %parallel_loop3A_207 : i32
      %parallel_loop3A_212 = arith.remsi %parallel_loop3A_182, %parallel_loop3A_211 : i32
      %parallel_loop3A_213 = arith.constant 0 : i32
      %parallel_loop3A_214 = arith.cmpi ne, %parallel_loop3A_212, %parallel_loop3A_213 : i32
      %parallel_loop3A_215 = arith.constant 0 : i32
      %parallel_loop3A_216 = arith.cmpi slt, %parallel_loop3A_212, %parallel_loop3A_215 : i32
      %parallel_loop3A_217 = arith.constant 0 : i32
      %parallel_loop3A_218 = arith.cmpi slt, %parallel_loop3A_211, %parallel_loop3A_217 : i32
      %parallel_loop3A_219 = arith.xori %parallel_loop3A_216, %parallel_loop3A_218 : i1
      %parallel_loop3A_220 = arith.andi %parallel_loop3A_219, %parallel_loop3A_214 : i1
      %parallel_loop3A_221 = arith.addi %parallel_loop3A_212, %parallel_loop3A_211 : i32
      %parallel_loop3A_222 = arith.select %parallel_loop3A_220, %parallel_loop3A_221, %parallel_loop3A_212 : i32
      %parallel_loop3A_223 = arith.constant 16 : i32
      %parallel_loop3A_224 = arith.muli %parallel_loop3A_222, %parallel_loop3A_223 : i32
      %parallel_loop3A_225 = arith.index_cast %parallel_loop3A_206 : i32 to index
      %parallel_loop3A_226 = arith.index_cast %parallel_loop3A_224 : i32 to index
      %parallel_loop3A_227 = tpu.vector_load %arg7[%parallel_loop3A_225, %parallel_loop3A_226] {strides = array<i32>} : memref<40x512xi32, #tpu.memory_space<vmem>>, vector<16xi32>,
      %parallel_loop3A_228 = arith.constant 6 : i32
      %parallel_loop3A_229 = vector.broadcast %parallel_loop3A_228 : i32 to vector<16xi32>
      %parallel_loop3A_230 = arith.muli %parallel_loop3A_227, %parallel_loop3A_229 : vector<16xi32>
      %parallel_loop3A_231 = arith.index_cast %parallel_loop3A_206 : i32 to index
      %parallel_loop3A_232 = arith.index_cast %parallel_loop3A_224 : i32 to index
      %parallel_loop3A_233 = tpu.vector_load %arg9[%parallel_loop3A_231, %parallel_loop3A_232] {strides = array<i32>} : memref<40x512xi32, #tpu.memory_space<vmem>>, vector<16xi32>,
      %parallel_loop3A_234 = arith.addi %parallel_loop3A_230, %parallel_loop3A_233 : vector<16xi32>
      %parallel_loop3A_235 = tpu.vector_load_idx %arg12[%parallel_loop3A_234] : memref<16xf32, #tpu.memory_space<vmem>>[vector<16xi32>], vector<16xf32>,
      %parallel_loop3A_236 = arith.index_cast %parallel_loop3A_206 : i32 to index
      %parallel_loop3A_237 = arith.index_cast %parallel_loop3A_224 : i32 to index
      %parallel_loop3A_238 = tpu.vector_load %arg11[%parallel_loop3A_236, %parallel_loop3A_237] {strides = array<i32>} : memref<40x512xf32, #tpu.memory_space<vmem>>, vector<16xf32>,
      tpu.vector_store %arg11[%parallel_loop3A_236, %parallel_loop3A_237], %parallel_loop3A_235 {strides = array<i32>} : memref<40x512xf32, #tpu.memory_space<vmem>>, vector<16xf32>,
    } {sc.loop_unroll_factor = 4 : i64, sc.parallel_access}
    %dma_start3A_151 = arith.constant 120 : i32
    %dma_start3A_152 = tpu.memref_slice %arg5[%dma_start3A_151, %mul3A_2] : memref<200x16384xf32, #tpu.memory_space<hbm>> -> memref<40x512xf32, #tpu.memory_space<hbm>>
    %dma_start3A_153 = arith.constant 120 : i32
    %dma_start3A_154 = tpu.memref_slice %arg5[%dma_start3A_153, %mul3A_2] : memref<200x16384xf32, #tpu.memory_space<hbm>> -> memref<40x512xf32, #tpu.memory_space<hbm>>
    tpu.enqueue_dma source(%arg11 : memref<40x512xf32, #tpu.memory_space<vmem>>) target(%dma_start3A_154 : memref<40x512xf32, #tpu.memory_space<hbm>>) target_semaphore(%arg17 : memref<!tpu.dma_semaphore, #tpu.memory_space<semaphore_mem>>)
    %dma_wait3A_155 = arith.constant 160 : i32
    %dma_wait3A_156 = tpu.memref_slice %arg2[%dma_wait3A_155, %mul3A_2] : memref<200x16384xi32, #tpu.memory_space<hbm>> -> memref<40x512xi32, #tpu.memory_space<hbm>>
    %dma_wait3A_157 = arith.constant 160 : i32
    %dma_wait3A_158 = tpu.memref_slice %arg2[%dma_wait3A_157, %mul3A_2] : memref<200x16384xi32, #tpu.memory_space<hbm>> -> memref<40x512xi32, #tpu.memory_space<hbm>>
    tpu.wait_dma2 semaphore(%arg14 : memref<!tpu.dma_semaphore, #tpu.memory_space<semaphore_mem>>) src(%dma_wait3A_158 : memref<40x512xi32, #tpu.memory_space<hbm>>) dst(%arg6 : memref<40x512xi32, #tpu.memory_space<vmem>>)
    %dma_wait3A_159 = arith.constant 160 : i32
    %dma_wait3A_160 = tpu.memref_slice %arg3[%dma_wait3A_159, %mul3A_2] : memref<200x16384xi32, #tpu.memory_space<hbm>> -> memref<40x512xi32, #tpu.memory_space<hbm>>
    %dma_wait3A_161 = arith.constant 160 : i32
    %dma_wait3A_162 = tpu.memref_slice %arg3[%dma_wait3A_161, %mul3A_2] : memref<200x16384xi32, #tpu.memory_space<hbm>> -> memref<40x512xi32, #tpu.memory_space<hbm>>
    tpu.wait_dma2 semaphore(%arg14 : memref<!tpu.dma_semaphore, #tpu.memory_space<semaphore_mem>>) src(%dma_wait3A_162 : memref<40x512xi32, #tpu.memory_space<hbm>>) dst(%arg8 : memref<40x512xi32, #tpu.memory_space<vmem>>)
    %dma_wait3A_163 = arith.constant 80 : i32
    %dma_wait3A_164 = tpu.memref_slice %arg5[%dma_wait3A_163, %mul3A_2] : memref<200x16384xf32, #tpu.memory_space<hbm>> -> memref<40x512xf32, #tpu.memory_space<hbm>>
    %dma_wait3A_165 = arith.constant 80 : i32
    %dma_wait3A_166 = tpu.memref_slice %arg5[%dma_wait3A_165, %mul3A_2] : memref<200x16384xf32, #tpu.memory_space<hbm>> -> memref<40x512xf32, #tpu.memory_space<hbm>>
    tpu.wait_dma2 semaphore(%arg16 : memref<!tpu.dma_semaphore, #tpu.memory_space<semaphore_mem>>) src(%arg10 : memref<40x512xf32, #tpu.memory_space<vmem>>) dst(%dma_wait3A_166 : memref<40x512xf32, #tpu.memory_space<hbm>>)
    %parallel_loop3A_167 = arith.constant 0 : i32
    %parallel_loop3A_168 = arith.constant 1280 : i32
    %parallel_loop3A_169 = arith.constant 1 : i32
    scf.for %parallel_loop3A_182 = %parallel_loop3A_167 to %parallel_loop3A_168 step %parallel_loop3A_169  : i32 {
      %parallel_loop3A_183 = arith.constant 32 : i32
      %parallel_loop3A_184 = arith.divsi %parallel_loop3A_182, %parallel_loop3A_183 : i32
      %parallel_loop3A_185 = arith.constant 0 : i32
      %parallel_loop3A_186 = arith.cmpi sgt, %parallel_loop3A_182, %parallel_loop3A_185 : i32
      %parallel_loop3A_187 = arith.extui %parallel_loop3A_186 : i1 to i32
      %parallel_loop3A_188 = arith.constant 0 : i32
      %parallel_loop3A_189 = arith.cmpi slt, %parallel_loop3A_182, %parallel_loop3A_188 : i32
      %parallel_loop3A_190 = arith.extui %parallel_loop3A_189 : i1 to i32
      %parallel_loop3A_191 = arith.subi %parallel_loop3A_187, %parallel_loop3A_190 : i32
      %parallel_loop3A_192 = arith.constant 0 : i32
      %parallel_loop3A_193 = arith.cmpi sgt, %parallel_loop3A_183, %parallel_loop3A_192 : i32
      %parallel_loop3A_194 = arith.extui %parallel_loop3A_193 : i1 to i32
      %parallel_loop3A_195 = arith.constant 0 : i32
      %parallel_loop3A_196 = arith.cmpi slt, %parallel_loop3A_183, %parallel_loop3A_195 : i32
      %parallel_loop3A_197 = arith.extui %parallel_loop3A_196 : i1 to i32
      %parallel_loop3A_198 = arith.subi %parallel_loop3A_194, %parallel_loop3A_197 : i32
      %parallel_loop3A_199 = arith.cmpi ne, %parallel_loop3A_191, %parallel_loop3A_198 : i32
      %parallel_loop3A_200 = arith.remsi %parallel_loop3A_182, %parallel_loop3A_183 : i32
      %parallel_loop3A_201 = arith.constant 0 : i32
      %parallel_loop3A_202 = arith.cmpi ne, %parallel_loop3A_200, %parallel_loop3A_201 : i32
      %parallel_loop3A_203 = arith.andi %parallel_loop3A_199, %parallel_loop3A_202 : i1
      %parallel_loop3A_204 = arith.constant 1 : i32
      %parallel_loop3A_205 = arith.subi %parallel_loop3A_184, %parallel_loop3A_204 : i32
      %parallel_loop3A_206 = arith.select %parallel_loop3A_203, %parallel_loop3A_205, %parallel_loop3A_184 : i32
      %parallel_loop3A_207 = arith.constant 32 : i32
      %parallel_loop3A_208 = arith.constant 0 : i32
      %parallel_loop3A_209 = arith.cmpi eq, %parallel_loop3A_207, %parallel_loop3A_208 : i32
      %parallel_loop3A_210 = arith.constant 1 : i32
      %parallel_loop3A_211 = arith.select %parallel_loop3A_209, %parallel_loop3A_210, %parallel_loop3A_207 : i32
      %parallel_loop3A_212 = arith.remsi %parallel_loop3A_182, %parallel_loop3A_211 : i32
      %parallel_loop3A_213 = arith.constant 0 : i32
      %parallel_loop3A_214 = arith.cmpi ne, %parallel_loop3A_212, %parallel_loop3A_213 : i32
      %parallel_loop3A_215 = arith.constant 0 : i32
      %parallel_loop3A_216 = arith.cmpi slt, %parallel_loop3A_212, %parallel_loop3A_215 : i32
      %parallel_loop3A_217 = arith.constant 0 : i32
      %parallel_loop3A_218 = arith.cmpi slt, %parallel_loop3A_211, %parallel_loop3A_217 : i32
      %parallel_loop3A_219 = arith.xori %parallel_loop3A_216, %parallel_loop3A_218 : i1
      %parallel_loop3A_220 = arith.andi %parallel_loop3A_219, %parallel_loop3A_214 : i1
      %parallel_loop3A_221 = arith.addi %parallel_loop3A_212, %parallel_loop3A_211 : i32
      %parallel_loop3A_222 = arith.select %parallel_loop3A_220, %parallel_loop3A_221, %parallel_loop3A_212 : i32
      %parallel_loop3A_223 = arith.constant 16 : i32
      %parallel_loop3A_224 = arith.muli %parallel_loop3A_222, %parallel_loop3A_223 : i32
      %parallel_loop3A_225 = arith.index_cast %parallel_loop3A_206 : i32 to index
      %parallel_loop3A_226 = arith.index_cast %parallel_loop3A_224 : i32 to index
      %parallel_loop3A_227 = tpu.vector_load %arg6[%parallel_loop3A_225, %parallel_loop3A_226] {strides = array<i32>} : memref<40x512xi32, #tpu.memory_space<vmem>>, vector<16xi32>,
      %parallel_loop3A_228 = arith.constant 6 : i32
      %parallel_loop3A_229 = vector.broadcast %parallel_loop3A_228 : i32 to vector<16xi32>
      %parallel_loop3A_230 = arith.muli %parallel_loop3A_227, %parallel_loop3A_229 : vector<16xi32>
      %parallel_loop3A_231 = arith.index_cast %parallel_loop3A_206 : i32 to index
      %parallel_loop3A_232 = arith.index_cast %parallel_loop3A_224 : i32 to index
      %parallel_loop3A_233 = tpu.vector_load %arg8[%parallel_loop3A_231, %parallel_loop3A_232] {strides = array<i32>} : memref<40x512xi32, #tpu.memory_space<vmem>>, vector<16xi32>,
      %parallel_loop3A_234 = arith.addi %parallel_loop3A_230, %parallel_loop3A_233 : vector<16xi32>
      %parallel_loop3A_235 = tpu.vector_load_idx %arg12[%parallel_loop3A_234] : memref<16xf32, #tpu.memory_space<vmem>>[vector<16xi32>], vector<16xf32>,
      %parallel_loop3A_236 = arith.index_cast %parallel_loop3A_206 : i32 to index
      %parallel_loop3A_237 = arith.index_cast %parallel_loop3A_224 : i32 to index
      %parallel_loop3A_238 = tpu.vector_load %arg10[%parallel_loop3A_236, %parallel_loop3A_237] {strides = array<i32>} : memref<40x512xf32, #tpu.memory_space<vmem>>, vector<16xf32>,
      tpu.vector_store %arg10[%parallel_loop3A_236, %parallel_loop3A_237], %parallel_loop3A_235 {strides = array<i32>} : memref<40x512xf32, #tpu.memory_space<vmem>>, vector<16xf32>,
    } {sc.loop_unroll_factor = 4 : i64, sc.parallel_access}
    %dma_start3A_170 = arith.constant 160 : i32
    %dma_start3A_171 = tpu.memref_slice %arg5[%dma_start3A_170, %mul3A_2] : memref<200x16384xf32, #tpu.memory_space<hbm>> -> memref<40x512xf32, #tpu.memory_space<hbm>>
    %dma_start3A_172 = arith.constant 160 : i32
    %dma_start3A_173 = tpu.memref_slice %arg5[%dma_start3A_172, %mul3A_2] : memref<200x16384xf32, #tpu.memory_space<hbm>> -> memref<40x512xf32, #tpu.memory_space<hbm>>
    tpu.enqueue_dma source(%arg10 : memref<40x512xf32, #tpu.memory_space<vmem>>) target(%dma_start3A_173 : memref<40x512xf32, #tpu.memory_space<hbm>>) target_semaphore(%arg16 : memref<!tpu.dma_semaphore, #tpu.memory_space<semaphore_mem>>)
    %dma_wait3A_174 = arith.constant 120 : i32
    %dma_wait3A_175 = tpu.memref_slice %arg5[%dma_wait3A_174, %mul3A_2] : memref<200x16384xf32, #tpu.memory_space<hbm>> -> memref<40x512xf32, #tpu.memory_space<hbm>>
    %dma_wait3A_176 = arith.constant 120 : i32
    %dma_wait3A_177 = tpu.memref_slice %arg5[%dma_wait3A_176, %mul3A_2] : memref<200x16384xf32, #tpu.memory_space<hbm>> -> memref<40x512xf32, #tpu.memory_space<hbm>>
    tpu.wait_dma2 semaphore(%arg17 : memref<!tpu.dma_semaphore, #tpu.memory_space<semaphore_mem>>) src(%arg11 : memref<40x512xf32, #tpu.memory_space<vmem>>) dst(%dma_wait3A_177 : memref<40x512xf32, #tpu.memory_space<hbm>>)
    %dma_wait3A_178 = arith.constant 160 : i32
    %dma_wait3A_179 = tpu.memref_slice %arg5[%dma_wait3A_178, %mul3A_2] : memref<200x16384xf32, #tpu.memory_space<hbm>> -> memref<40x512xf32, #tpu.memory_space<hbm>>
    %dma_wait3A_180 = arith.constant 160 : i32
    %dma_wait3A_181 = tpu.memref_slice %arg5[%dma_wait3A_180, %mul3A_2] : memref<200x16384xf32, #tpu.memory_space<hbm>> -> memref<40x512xf32, #tpu.memory_space<hbm>>
    tpu.wait_dma2 semaphore(%arg16 : memref<!tpu.dma_semaphore, #tpu.memory_space<semaphore_mem>>) src(%arg10 : memref<40x512xf32, #tpu.memory_space<vmem>>) dst(%dma_wait3A_181 : memref<40x512xf32, #tpu.memory_space<hbm>>)
    return
  }
}

</mosaic_0001>

<sc_bundles>
// kernel: kernel.3.cloned.1.call-start
scs
__scs_entry_jumppad:
0x0: {  	(pc) =	sbr.rel $0x88, $3  }
0x1: {  	(tag) =	ssettag $0x0;
	lr =	simm.s32 $0x1  }
0x2: {  	[smem:$0x3F9E] =	sst lr;
	_ =	strace $0xD0000000  }
0x3: {  	_ = 	snop  }
0x4: {  	_ = 	snop  }
0x5: {  	_ = 	snop  }
0x6: {  	_ = 	snop  }
0x7: {  	_ = 	snop  }
__scs_overlays_trampoline_lowered:
0x8: {  	[smem:$0x3FAD] =	sst s0  }
0x9: {  	[smem:$0x3FAE] =	sst s1  }
0xa: {  	[smem:$0x3FAF] =	sst s2  }
0xb: {  	[smem:$0x3FB0] =	sst s3  }
0xc: {  	[smem:$0x3FB1] =	sst s4  }
0xd: {  	[smem:$0x3FB2] =	sst s5  }
0xe: {  	[smem:$0x3FB3] =	sst s6  }
0xf: {  	[smem:$0x3FB4] =	sst s7  }
0x10: {  	[smem:$0x3FB5] =	sst s8  }
0x11: {  	[smem:$0x3FB6] =	sst s9;
	s0 =	simm.s32 @!p0 $0x0  }
0x12: {  	s1 =	sld [smem:$0x3F9C];
	s0 =	simm.s32 @p0 $0x1  }
0x13: {  	[smem:$0x3FB7] =	sst s0;
	s0 =	simm.s32 @!p1 $0x0  }
0x14: {  	s2 =	sld [smem:$0x3F9B];
	s0 =	simm.s32 @p1 $0x1  }
0x15: {  	[smem:$0x3FB8] =	sst s0;
	s0 =	simm.s32 @!p2 $0x0  }
0x16: {  	s3 =	sld [smem:$0x3FDB];
	s0 =	simm.s32 @p2 $0x1  }
0x17: {  	s4 =	simm.s32 $0x1BF5;
	[smem:$0x3FBA] =	sst s0  }
0x18: {  	s0 =	sld [smem:$0x3F9D];
	_ =	swait.ge [sflag:s4], $0x0  }
0x19: {  	s7 =	sld [smem:$0x3F9E]  }
0x1a: {  	s8 =	sadd.s32 $0xFFFFE003, lr  }
0x1b: {  	s9 =	sadd.s32 $0xFFFFFEF7, lr;
	s5 =	simm.s32 $0xFFFFFFFF;
	p2 =	slt.u32 s8, $0xFFFFF086  }
0x1c: {  	p1 =	slt.u32 s9, $0xF7A;
	s5 =	simm.s32 @!p2 $0x0  }
0x1d: {  	s5 =	simm.s32 @p1 $0x1;
	p0 =	seq.s32 s7, s2  }
0x1e: {  	s7 =	smul.u32 @!p0 $0xF7A, s2;
	p2 =	seq.s32 @!p0 s5, $0x0  }
0x1f: {  	s9 =	smul.u32 $0xF7A, s1;
	s8 =	simm.s32 @!p0 $0x1BF5;
	p2 =	por !p2, p0  }
0x20: {  	[sflag:s8] =	ssyncset.s32 @!p0 $0xFFFFF086;
	s6 =	sadd.s32 @!p0 s3, s7;
	s7 =	simm.s32 @!p0 $0x108  }
0x21: {  	s3 =	sadd.s32 s3, s9;
	s6 =	sadd.s32 @!p0 $0x88, s6;
	s7 =	simm.s32 @p2 $0x1082  }
0x22: {  	[simem:s7], [sflag:s8] =	dma.local @!p0 [hbm:s6], $0xF7A  }
0x23: {  	s9 =	sor.u32 $0xD0000000, s2;
	s6 =	simm.s32 $0x108;
	_ =	swait.ge @!p0 [sflag:s8], $0x0  }
0x24: {  	s3 =	sadd.s32 $0x88, s3;
	s6 =	simm.s32 @!p1 $0x1082;
	[sflag:s4] =	ssyncset.s32 $0xFFFFF086  }
0x25: {  	[simem:s6], [sflag:s4] =	dma.local [hbm:s3], $0xF7A  }
0x26: {  	[smem:$0x3F9E] =	sst s1;
	(tag) =	ssettag s2;
	_ =	strace s9  }
0x27: {  	s1 =	sld [smem:$0x3FAE]  }
0x28: {  	s2 =	sld [smem:$0x3FAF]  }
0x29: {  	s4 =	sld [smem:$0x3FB1]  }
0x2a: {  	p0 =	seq.s32 s5, $0x0;
	s5 =	sld [smem:$0x3FB2]  }
0x2b: {  	s6 =	sld [smem:$0x3FB3]  }
0x2c: {  	s7 =	sld [smem:$0x3FB4]  }
0x2d: {  	s3 =	simm.s32 $0x108;
	s8 =	sld [smem:$0x3FB5]  }
0x2e: {  	s3 =	simm.s32 @!p0 $0x1082;
	s9 =	sld [smem:$0x3FB6]  }
0x2f: {  	lr =	sadd.s32 s0, s3;
	s0 =	sld [smem:$0x3FAD]  }
0x30: {  	s3 =	sld [smem:$0x3FB0]  }
0x31: {  	[smem:$0x3FB9] =	sst s10  }
0x32: {  	s10 =	sld [smem:$0x3FB7];
	_ =	sdelay $0x3  }
0x33: {  	p0 =	seq.s32 s10, $0x1;
	s10 =	sld [smem:$0x3FB9];
	_ =	sdelay $0x3  }
0x34: {  	[smem:$0x3FB9] =	sst s10  }
0x35: {  	s10 =	sld [smem:$0x3FB8];
	_ =	sdelay $0x3  }
0x36: {  	p1 =	seq.s32 s10, $0x1;
	s10 =	sld [smem:$0x3FB9];
	_ =	sdelay $0x3  }
0x37: {  	[smem:$0x3FB9] =	sst s10  }
0x38: {  	s10 =	sld [smem:$0x3FBA]  }
0x39: {  	_ = 	snop;
	(pc) =	sbr.ind lr, $3  }
0x3a: {  	_ = 	snop  }
0x3b: {  	_ = 	snop  }
0x3c: {  	p2 =	seq.s32 s10, $0x1;
	s10 =	sld [smem:$0x3FB9]  }
0x3d: {  	_ =	shalt  }
0x3e: {  	_ =	shalt  }
0x3f: {  	_ =	shalt  }
0x40: {  	_ =	shalt  }
0x41: {  	_ =	shalt  }
0x42: {  	_ =	shalt  }
0x43: {  	_ =	shalt  }
0x44: {  	_ =	shalt  }
0x45: {  	_ =	shalt  }
0x46: {  	_ =	shalt  }
0x47: {  	_ =	shalt  }
0x48: {  	_ =	shalt  }
0x49: {  	_ =	shalt  }
0x4a: {  	_ =	shalt  }
0x4b: {  	_ =	shalt  }
0x4c: {  	_ =	shalt  }
0x4d: {  	_ =	shalt  }
0x4e: {  	_ =	shalt  }
0x4f: {  	_ =	shalt  }
0x50: {  	_ =	shalt  }
0x51: {  	_ =	shalt  }
0x52: {  	_ =	shalt  }
0x53: {  	_ =	shalt  }
0x54: {  	_ =	shalt  }
0x55: {  	_ =	shalt  }
0x56: {  	_ =	shalt  }
0x57: {  	_ =	shalt  }
0x58: {  	_ =	shalt  }
0x59: {  	_ =	shalt  }
0x5a: {  	_ =	shalt  }
0x5b: {  	_ =	shalt  }
0x5c: {  	_ =	shalt  }
0x5d: {  	_ =	shalt  }
0x5e: {  	_ =	shalt  }
0x5f: {  	_ =	shalt  }
0x60: {  	_ =	shalt  }
0x61: {  	_ =	shalt  }
0x62: {  	_ =	shalt  }
0x63: {  	_ =	shalt  }
0x64: {  	_ =	shalt  }
0x65: {  	_ =	shalt  }
0x66: {  	_ =	shalt  }
0x67: {  	_ =	shalt  }
0x68: {  	_ =	shalt  }
0x69: {  	_ =	shalt  }
0x6a: {  	_ =	shalt  }
0x6b: {  	_ =	shalt  }
0x6c: {  	_ =	shalt  }
0x6d: {  	_ =	shalt  }
0x6e: {  	_ =	shalt  }
0x6f: {  	_ =	shalt  }
0x70: {  	_ =	shalt  }
0x71: {  	_ =	shalt  }
0x72: {  	_ =	shalt  }
0x73: {  	_ =	shalt  }
0x74: {  	_ =	shalt  }
0x75: {  	_ =	shalt  }
0x76: {  	_ =	shalt  }
0x77: {  	_ =	shalt  }
0x78: {  	_ =	shalt  }
0x79: {  	_ =	shalt  }
0x7a: {  	_ =	shalt  }
0x7b: {  	_ =	shalt  }
0x7c: {  	_ =	shalt  }
0x7d: {  	_ =	shalt  }
0x7e: {  	_ =	shalt  }
0x7f: {  	_ =	shalt  }
0x80: {  	_ =	shalt  }
0x81: {  	_ =	shalt  }
0x82: {  	_ =	shalt  }
0x83: {  	_ =	shalt  }
0x84: {  	_ =	shalt  }
0x85: {  	_ =	shalt  }
0x86: {  	_ =	shalt  }
0x87: {  	_ =	shalt  }
.Lfunc_end0:
.L_simem_size_0:
called_computation_lowered:
.L_overlay_start_0:
0x88: {  	s2 =	sld [smem:$0x3FD9]  }
0x89: {  	s3 =	sld [smem:$0x3FFE];
	_ =	sdelay $0x1  }
0x8a: {  	s1 =	srdreg.scid  }
0x8b: {  	s0 =	sand.u32 $0x1, s1  }
0x8c: {  	s18 =	sshll.u32 s0, $0xA;
	s2 =	sadd.s32 s3, s2  }
0x8d: {  	s2 =	sadd.s32 s2, s18  }
0x8e: {  	[smem:$0x3FC5] =	sst s2  }
0x8f: {  	_ = 	snop  }
0x90: {  	s2 =	sld [smem:$0x3FC9]  }
0x91: {  	s19 =	sld [smem:$0x3FC8]  }
0x92: {  	s4 =	sld [smem:$0x3FC7]  }
0x93: {  	s5 =	sld [smem:$0x3FD0];
	(tm) =	ssettm $0x1  }
0x94: {  	s6 =	sld [smem:$0x3FFB];
	_ =	sdelay $0x3  }
0x95: {  	_ =	strace s6  }
0x96: {  	s6 =	sld [smem:$0x3FFC];
	_ =	sdelay $0x3  }
0x97: {  	_ =	strace s6  }
0x98: {  	s6 =	sld [smem:$0x3FFD];
	_ =	sdelay $0x3  }
0x99: {  	_ =	strace s6  }
0x9a: {  	_ =	strace $0x8FFFFFFF  }
0x9b: {  	s20 =	sld [smem:$0x3FDB];
	_ =	sdelay $0x1  }
0x9c: {  	s7 =	simm.s32 $_scs_section_size  }
0x9d: {  	s8 =	simm.s32 $_size__tile_overlayer_lowered;
	s9 =	simm.s32 $_tile_overlayer_lowered  }
0x9e: {  	s23 =	simm.s32 $0x1BFF;
	s22 =	sshll.u32 s9, $0x1;
	s6 =	sadd.s32 s7, s20  }
0x9f: {  	s10 =	simm.s32 $0x0;
	s21 =	sshll.u32 s8, $0x1;
	s8 =	sadd.s32 s22, s6  }
0xa0: {  	[timem:s10], [sflag:s23] =	dma.local [hbm:s8], s21  }
0xa1: {  	_ =	swait.ge [sflag:s23], s21  }
0xa2: {  	s7 =	ssub.s32 $0x0, s21;
	[sflag:s23] =	ssyncset.done $0x0  }
0xa3: {  	[sflag:s23] =	ssyncadd.s32 s7;
	_ =	sdelay $0x1  }
0xa4: {  	s24 =	simm.s32 $0x1B8B  }
0xa5: {  	_ =	swait.ge [sflag:s24], $0x1  }
0xa6: {  	[sflag:s24] =	ssyncset.done $0x0  }
0xa7: {  	s25 =	simm.s32 $0x1B8E;
	[sflag:s24] =	ssyncadd.s32 $0xFFFFFFFF  }
0xa8: {  	s26 =	simm.s32 $execute0_lowered;
	[smem:$0x3FD2] =	sst s25  }
0xa9: {  	s7 =	sshll.u32 s26, $0x1;
	_ =	strace $0x80000046;
	[dreg:$0x1] =	wrdreg $0xFFFFFFFF  }
0xaa: {  	s28 =	simm.s32 $_size_execute0_lowered;
	s6 =	sadd.s32 s6, s7;
	[dreg:$0x0] =	wrdreg $0x0  }
0xab: {  	s7 =	sshll.u32 s28, $0x1;
	[dreg:$0x2] =	wrdreg s6  }
0xac: {  	[dreg:$0x3] =	wrdreg s7  }
0xad: {  	[dreg:$0x4] =	wrdreg $0xC0  }
0xae: {  	_ =	task [dreg:s10], $0x5FFFF  }
0xaf: {  	[dreg:$0x1] =	wrdreg $0xFFFFFFFF  }
0xb0: {  	[dreg:$0x0] =	wrdreg $0x60  }
0xb1: {  	[dreg:$0x2] =	wrdreg s2  }
0xb2: {  	[dreg:$0x3] =	wrdreg s19  }
0xb3: {  	[dreg:$0x4] =	wrdreg s4  }
0xb4: {  	[dreg:$0x5] =	wrdreg s5  }
0xb5: {  	[dreg:$0x6] =	wrdreg $0x9  }
0xb6: {  	_ =	task.clear_ibuf [dreg:s10], $0x7FFFF;
	_ =	strace $0x90000046  }
0xb7: {  	s29 =	simm.s32 $0x9;
	_ =	strace $0x80000048  }
0xb8: {  	_ =	swait.ge [sflag:s29], $0x1  }
0xb9: {  	[sflag:s29] =	ssyncadd.s32 $0xFFFFFFFF  }
0xba: {  	_ =	strace $0x90000048  }
0xbb: {  	_ =	sfence  }
0xbc: {  	s30 =	sld [smem:$0x0];
	_ =	sdelay $0x2  }
0xbd: {  	s31 =	sshll.u32 s1, $0xD;
	s1 =	sshrl.u32 s1, $0x2  }
0xbe: {  	s3 =	sand.u32 $0x4000, s31;
	s1 =	sadd.s32 s1, s30  }
0xbf: {  	s0 =	sor.u32 s3, s0;
	s1 =	sshll.u32 s1, $0x11  }
0xc0: {  	s0 =	sor.u32 s1, s0  }
0xc1: {  	s0 =	sadd.s32 $0x8F2B, s0  }
0xc2: {  	[sflag:s0] =	ssyncadd.remote.s32 $0x1  }
0xc3: {  	_ =	sfence.sel $0xFFFF  }
0xc4: {  	[dreg:$0x0] =	wrdreg $0xFFFFFFFF;
	(pc) =	sbr.abs _section_cstart, $3  }
0xc5: {  	[dreg:$0x1] =	wrdreg $0xFFFFFFFF  }
0xc6: {  	_ =	task.clear_ibuf [dreg:s10], $0x2FFFF;
	_ =	strace $0x9FFFFFFF  }
0xc7: {  	(tm) =	ssettm $0x7FFFFFFF  }
tec
execute0_lowered:
.L_overlay_start_1:
0x0: {  	(tag) =	ssettag $0x1  }
0x1: {  	s0 =	rddreg [dreg:$0x0]  }
0x2: {  	s1 =	rddreg [dreg:$0x1]  }
0x3: {  	s2 =	rddreg [dreg:$0x3];
	s3 =	simm.s32 $0x0;
	s4 =	srdreg.scid  }
0x4: {  	s6 =	stileid.u32;
	s28 =	simm.s32 $0x1;
	s29 =	simm.s32 $0x1E000  }
0x5: {  	s30 =	simm.s32 $0x14000;
	s31 =	simm.s32 $0x2;
	s4 =	sand.u32 $0x1, s4  }
0x6: {  	s6 =	sshll.u32 s6, $0xA;
	s5 =	ssub.s32 $0x2, s4;
	s4 =	sshll.u32 s4, $0x9  }
0x7: {  	[smem:$0x7FF] =	sst s3;
	s7 =	sshrl.u32 s5, $0x1;
	s4 =	sor.u32 s4, s6  }
0x8: {  	_ =	strace $0x80000047;
	s5 =	ssub.s32 s5, s7;
	s6 =	sadd.s32 s0, s4  }
0x9: {  	s18 =	sor.u32 $0x14000, s4;
	s19 =	sadd.s32 s1, s4;
	s21 =	sor.u32 $0x28000, s4  }
0xa: {  	v0 =	vimm.s32 $0x543210;
	s22 =	sadd.s32 s2, s4;
	s25 =	sor.u32 $0x3C000, s4;
	[dreg:$0x5] =	wrdreg s6  }
0xb: {  	v0 =	vunpack.c.l.s4.s8 v0;
	s4 =	sor.u32 $0x50000, s4;
	[dreg:$0x6] =	wrdreg s19;
	s20 =	sadd.s32 s0, s18  }
0xc: {  	v1 =	vimm.s32 $0x81808382;
	s8 =	sadd.s32 s1, s18;
	[dreg:$0x9] =	wrdreg s22;
	s23 =	sadd.s32 s0, s21  }
0xd: {  	v1 =	vunpack.c.0.s8.s32 v1;
	v0 =	vunpack.c.0.s8.s32 v0;
	s24 =	sadd.s32 s1, s21;
	s6 =	sadd.s32 s2, s18;
	s26 =	sadd.s32 s0, s25  }
0xe: {  	vm0 =	vcmask $0x1700;
	s13 =	sadd.s32 s1, s25;
	s14 =	sadd.s32 s2, s21;
	s15 =	sadd.s32 s0, s4  }
0xf: {  	vm10 =	vcmask $0x2718;
	v1 =	vand.u32 $0xFF, v1;
	s16 =	sadd.s32 s1, s4;
	v0 =	vnsel vm0, $0x103, v0;
	s17 =	sadd.s32 s2, s25;
	[dreg:$0x7] =	wrdreg s20  }
0x10: {  	vm11 =	vcmask $0x2B28;
	s18 =	sadd.s32 s2, s4;
	s19 =	smax.u32 s5, $0x1;
	[dreg:$0x8] =	wrdreg s8;
	v0 =	vsel vm10, v1, v0  }
0x11: {  	vm12 =	vcmask $0x2F2C;
	s21 =	simm.s32 $0x20000;
	s22 =	simm.s32 $0xA000;
	[dreg:$0xa] =	wrdreg s23;
	v0 =	vsel vm11, $0x84, v0  }
0x12: {  	vm13 =	vcmask $0x3330;
	s25 =	simm.s32 $0x5000;
	s0 =	simm.s32 $0x19000;
	[dreg:$0xb] =	wrdreg s24;
	v0 =	vsel vm12, $0x85, v0  }
0x13: {  	vm14 =	vcmask $0x3734;
	s2 =	simm.s32 $0x3;
	s1 =	simm.s32 $0x4;
	[dreg:$0xc] =	wrdreg s6;
	v0 =	vsel vm13, $0x100, v0  }
0x14: {  	vm15 =	vcmask $0x3B38;
	s4 =	simm.s32 $0x0;
	[dreg:$0xd] =	wrdreg s26;
	s20 =	simm.s32 $0x1000;
	v0 =	vsel vm14, $0x101, v0  }
0x15: {  	s23 =	simm.s32 $0x1E080;
	s24 =	simm.s32 $0x5;
	s26 =	simm.s32 $0xF000;
	v0 =	vsel vm15, $0x102, v0  }
.LBB2_1:
0x16: {  	s5 =	rddreg [dreg:$0x5]  }
0x17: {  	[tilespmem:s3], [sflag:$0x1] =	stream.strided.gather [hbm4b:s5+s20], $0x5000, s21, s20, $0x38;
	[tilespmem:$0x1E180] =	vst v63  }
0x18: {  	s12 =	rddreg [dreg:$0x6]  }
0x19: {  	[tilespmem:s22], [sflag:$0x1] =	stream.strided.gather [hbm4b:s12+s20], $0x5000, s21, s20, $0x38;
	[tilespmem:$0x1E180] =	vst v63  }
0x1a: {  	s6 =	rddreg [dreg:$0x2]  }
0x1b: {  	[tilespmem:s23], [sflag:$0x5] =	stream.linear.gather [hbm4b:s6+s3], $0x100, $0x38;
	[tilespmem:$0x1E180] =	vst v63  }
0x1c: {  	_ =	swait.ge [sflag:s24], $0x100  }
0x1d: {  	[sflag:s24] =	ssyncset.done $0x0  }
0x1e: {  	[sflag:s24] =	ssyncadd.s32 $0xFFFFFF00  }
0x1f: {  	v1 =	vld.idx.msk [tilespmem:v0+s23+$0x0], $0xfff;
	_ =	sdelay $0x4  }
0x20: {  	s7 =	rddreg [dreg:$0x7];
	[tilespmem:$0x1E000] =	vst v1  }
0x21: {  	[tilespmem:s25], [sflag:$0x2] =	stream.strided.gather [hbm4b:s7+s20], $0x5000, s21, s20, $0x38;
	[tilespmem:$0x1E180] =	vst v63  }
0x22: {  	s8 =	rddreg [dreg:$0x8]  }
0x23: {  	[tilespmem:s26], [sflag:$0x2] =	stream.strided.gather [hbm4b:s8+s20], $0x5000, s21, s20, $0x38;
	[tilespmem:$0x1E180] =	vst v63  }
0x24: {  	s9 =	simm.s32 $0x0;
	_ =	swait.ge [sflag:s28], $0x5000  }
0x25: {  	s5 =	sand.u32 $0x7000, s9;
	[sflag:s28] =	ssyncset.done $0x0  }
0x26: {  	s6 =	sand.u32 $0xC00, s3;
	s7 =	simm.s32 $0x0;
	[sflag:s28] =	ssyncadd.s32 $0xFFFFB000  }
0x27: {  	s5 =	sor.u32 s6, s5;
	s10 =	sand.u32 $0x380, s7;
	_ =	swait.ge [sflag:s28], $0x5000  }
0x28: {  	s11 =	sand.u32 $0x40, s3;
	s5 =	sor.u32 s10, s5;
	[sflag:s28] =	ssyncset.done $0x0  }
0x29: {  	s5 =	sor.u32 s11, s5;
	[sflag:s28] =	ssyncadd.s32 $0xFFFFB000  }
0x2a: {  	v1 =	vld [tilespmem:s5+$0x30];
	_ =	sdelay $0x1  }
0x2b: {  	v2 =	vld [tilespmem:s5+$0xA030];
	_ =	sdelay $0x1  }
0x2c: {  	v3 =	vld [tilespmem:s5+$0x0]  }
0x2d: {  	s12 =	simm.s32 $0x40;
	s7 =	simm.s32 $0x200;
	v5 =	vld [tilespmem:s5+$0x10];
	v1 =	vmul.u32 $0x6, v1  }
0x2e: {  	s9 =	simm.s32 $0x10;
	s6 =	sand.u32 $0x7000, s12;
	s8 =	sand.u32 $0xC00, s7;
	v6 =	vld [tilespmem:s5+$0x20]  }
0x2f: {  	s9 =	sand.u32 $0x380, s9;
	s6 =	sor.u32 s8, s6;
	s8 =	simm.s32 $0x40;
	v7 =	vld [tilespmem:s5+$0xA010];
	v1 =	vadd.s32 v2, v1  }
0x30: {  	s10 =	sand.u32 $0x40, s8;
	s6 =	sor.u32 s9, s6;
	v10 =	vld [tilespmem:s5+$0xA020]  }
0x31: {  	s6 =	sor.u32 s10, s6;
	v2 =	vld [tilespmem:s5+$0xA000]  }
0x32: {  	v8 =	vld [tilespmem:s6+$0x30]  }
0x33: {  	v9 =	vld [tilespmem:s6+$0x0]  }
0x34: {  	v4 =	vld.idx.msk [tilespmem:v1+s29+$0x0], $0xffff;
	v1 =	vmul.u32 $0x6, v3  }
0x35: {  	v11 =	vmul.u32 $0x6, v5;
	v12 =	vmul.u32 $0x6, v6;
	v6 =	vld [tilespmem:s6+$0xA030]  }
0x36: {  	v5 =	vld [tilespmem:s6+$0x10];
	v3 =	vadd.s32 v2, v1  }
0x37: {  	s9 =	simm.s32 $0x4;
	v2 =	vadd.s32 v7, v11;
	v1 =	vadd.s32 v10, v12;
	v7 =	vld [tilespmem:s6+$0x20]  }
.LBB2_2:
0x38: {  	s9 =	sadd.s32 $0x4, s9;
	v10 =	vld [tilespmem:s6+$0xA000];
	v8 =	vmul.u32 $0x6, v8  }
0x39: {  	s7 =	sadd.s32 $0x200, s7;
	s10 =	sshll.u32 s9, $0x4;
	p0 =	slt.u32 s9, $0x4FC;
	v9 =	vmul.u32 $0x6, v9;
	v11 =	vld [tilespmem:s6+$0xA010];
	[tilespmem:s5+$0x14030] =	vst v4  }
0x3a: {  	s11 =	sand.u32 $0xC00, s7;
	s12 =	sshll.u32 s9, $0x2;
	s10 =	sand.u32 $0x7000, s10;
	v4 =	vld [tilespmem:s6+$0xA020];
	v6 =	vadd.s32 v6, v8  }
0x3b: {  	s8 =	sadd.s32 $0x40, s8;
	s10 =	sor.u32 s11, s10;
	s11 =	sand.u32 $0x380, s12;
	v5 =	vmul.u32 $0x6, v5;
	v12 =	vld.idx.msk [tilespmem:v3+s29+$0x0], $0xffff  }
0x3c: {  	s12 =	sand.u32 $0x40, s8;
	s10 =	sor.u32 s11, s10;
	v7 =	vmul.u32 $0x6, v7;
	v13 =	vld.idx.msk [tilespmem:v2+s29+$0x0], $0xffff  }
0x3d: {  	s10 =	sor.u32 s12, s10;
	v3 =	vadd.s32 v10, v9;
	v10 =	vld.idx.msk [tilespmem:v1+s29+$0x0], $0xffff  }
0x3e: {  	v8 =	vld [tilespmem:s10+$0x30];
	v2 =	vadd.s32 v11, v5  }
.Ltmp0:
0x3f: {  	v1 =	vadd.s32 v4, v7;
	v4 =	vld.idx.msk [tilespmem:v6+s29+$0x0], $0xffff;
	(pc) =	sbr.rel @p0 .LBB2_2-.Ltmp0, $4  }
0x40: {  	v9 =	vld [tilespmem:s10+$0x0]  }
0x41: {  	v6 =	vld [tilespmem:s10+$0xA030];
	[tilespmem:s5+$0x14000] =	vst v12  }
0x42: {  	v5 =	vld [tilespmem:s10+$0x10];
	[tilespmem:s5+$0x14010] =	vst v13  }
0x43: {  	v7 =	vld [tilespmem:s10+$0x20];
	[tilespmem:s5+$0x14020] =	vst v10;
	s5 =	smov.u32 s6;
	s6 =	smov.u32 s10  }
0x44: {  	v10 =	vld [tilespmem:s6+$0xA000]  }
0x45: {  	v11 =	vld [tilespmem:s6+$0xA010]  }
0x46: {  	v8 =	vmul.u32 $0x6, v8;
	v12 =	vld [tilespmem:s6+$0xA020]  }
0x47: {  	v9 =	vmul.u32 $0x6, v9  }
0x48: {  	v6 =	vadd.s32 v6, v8;
	v5 =	vmul.u32 $0x6, v5  }
0x49: {  	v7 =	vmul.u32 $0x6, v7;
	v8 =	vadd.s32 v10, v9  }
0x4a: {  	v3 =	vld.idx.msk [tilespmem:v3+s29+$0x0], $0xffff;
	v5 =	vadd.s32 v11, v5  }
0x4b: {  	v2 =	vld.idx.msk [tilespmem:v2+s29+$0x0], $0xffff;
	v7 =	vadd.s32 v12, v7  }
0x4c: {  	v1 =	vld.idx.msk [tilespmem:v1+s29+$0x0], $0xffff  }
0x4d: {  	v6 =	vld.idx.msk [tilespmem:v6+s29+$0x0], $0xffff  }
0x4e: {  	[tilespmem:s5+$0x14030] =	vst v4;
	v4 =	vld.idx.msk [tilespmem:v8+s29+$0x0], $0xffff  }
0x4f: {  	[tilespmem:s5+$0x14000] =	vst v3;
	v3 =	vld.idx.msk [tilespmem:v5+s29+$0x0], $0xffff  }
0x50: {  	[tilespmem:s5+$0x14010] =	vst v2;
	v2 =	vld.idx.msk [tilespmem:v7+s29+$0x0], $0xffff  }
0x51: {  	[tilespmem:s5+$0x14020] =	vst v1  }
0x52: {  	[tilespmem:s6+$0x14030] =	vst v6  }
0x53: {  	[tilespmem:s6+$0x14000] =	vst v4  }
0x54: {  	[tilespmem:s6+$0x14010] =	vst v3  }
0x55: {  	[tilespmem:s6+$0x14020] =	vst v2  }
0x56: {  	s5 =	rddreg [dreg:$0x9]  }
0x57: {  	[hbm4b:s5+s20] =	stream.strided.scatter [tilespmem:s30], [sflag:$0x3], $0x5000, s21, s20, $0x38;
	[tilespmem:$0x1E180] =	vst v63  }
0x58: {  	s12 =	simm.s32 $0x0;
	s6 =	rddreg [dreg:$0xa]  }
0x59: {  	[tilespmem:s12], [sflag:$0x1] =	stream.strided.gather [hbm4b:s6+s20], $0x5000, s21, s20, $0x38;
	[tilespmem:$0x1E180] =	vst v63  }
0x5a: {  	s8 =	rddreg [dreg:$0xb]  }
0x5b: {  	[tilespmem:s22], [sflag:$0x1] =	stream.strided.gather [hbm4b:s8+s20], $0x5000, s21, s20, $0x38;
	[tilespmem:$0x1E180] =	vst v63  }
0x5c: {  	_ =	swait.ge [sflag:s31], $0x5000  }
0x5d: {  	s9 =	simm.s32 $0x0;
	s7 =	sand.u32 $0xC00, s12;
	[sflag:s31] =	ssyncset.done $0x0  }
0x5e: {  	s6 =	sand.u32 $0x7000, s9;
	s8 =	simm.s32 $0x0;
	[sflag:s31] =	ssyncadd.s32 $0xFFFFB000  }
0x5f: {  	s6 =	sor.u32 s7, s6;
	s10 =	sand.u32 $0x380, s8;
	_ =	swait.ge [sflag:s31], $0x5000  }
0x60: {  	s5 =	sand.u32 $0x40, s12;
	s6 =	sor.u32 s10, s6;
	[sflag:s31] =	ssyncset.done $0x0  }
0x61: {  	s5 =	sor.u32 s5, s6;
	[sflag:s31] =	ssyncadd.s32 $0xFFFFB000  }
0x62: {  	v1 =	vld [tilespmem:s5+$0x5030];
	_ =	sdelay $0x1  }
0x63: {  	v2 =	vld [tilespmem:s5+$0xF030];
	_ =	sdelay $0x1  }
0x64: {  	v3 =	vld [tilespmem:s5+$0x5000]  }
0x65: {  	s11 =	simm.s32 $0x40;
	s7 =	simm.s32 $0x200;
	v5 =	vld [tilespmem:s5+$0x5010];
	v1 =	vmul.u32 $0x6, v1  }
0x66: {  	s9 =	simm.s32 $0x10;
	s12 =	sand.u32 $0xC00, s7;
	s6 =	sand.u32 $0x7000, s11;
	v6 =	vld [tilespmem:s5+$0x5020]  }
0x67: {  	s9 =	sand.u32 $0x380, s9;
	s8 =	simm.s32 $0x40;
	s6 =	sor.u32 s12, s6;
	v7 =	vld [tilespmem:s5+$0xF010];
	v1 =	vadd.s32 v2, v1  }
0x68: {  	s10 =	sand.u32 $0x40, s8;
	s6 =	sor.u32 s9, s6;
	v10 =	vld [tilespmem:s5+$0xF020]  }
0x69: {  	s6 =	sor.u32 s10, s6;
	v2 =	vld [tilespmem:s5+$0xF000]  }
0x6a: {  	v8 =	vld [tilespmem:s6+$0x5030]  }
0x6b: {  	v9 =	vld [tilespmem:s6+$0x5000]  }
0x6c: {  	v4 =	vld.idx.msk [tilespmem:v1+s29+$0x0], $0xffff;
	v1 =	vmul.u32 $0x6, v3  }
0x6d: {  	v11 =	vmul.u32 $0x6, v5;
	v63 =	vmul.u32 $0x6, v6;
	v6 =	vld [tilespmem:s6+$0xF030]  }
0x6e: {  	v5 =	vld [tilespmem:s6+$0x5010];
	v3 =	vadd.s32 v2, v1  }
0x6f: {  	s9 =	simm.s32 $0x4;
	v2 =	vadd.s32 v7, v11;
	v1 =	vadd.s32 v10, v63;
	v7 =	vld [tilespmem:s6+$0x5020]  }
.LBB2_4:
0x70: {  	s9 =	sadd.s32 $0x4, s9;
	v10 =	vld [tilespmem:s6+$0xF000];
	v8 =	vmul.u32 $0x6, v8  }
0x71: {  	s7 =	sadd.s32 $0x200, s7;
	s10 =	sshll.u32 s9, $0x4;
	p0 =	slt.u32 s9, $0x4FC;
	v9 =	vmul.u32 $0x6, v9;
	v11 =	vld [tilespmem:s6+$0xF010];
	[tilespmem:s5+$0x19030] =	vst v4  }
0x72: {  	s11 =	sand.u32 $0xC00, s7;
	s12 =	sshll.u32 s9, $0x2;
	s10 =	sand.u32 $0x7000, s10;
	v4 =	vld [tilespmem:s6+$0xF020];
	v6 =	vadd.s32 v6, v8  }
0x73: {  	s8 =	sadd.s32 $0x40, s8;
	s10 =	sor.u32 s11, s10;
	s11 =	sand.u32 $0x380, s12;
	v5 =	vmul.u32 $0x6, v5;
	v12 =	vld.idx.msk [tilespmem:v3+s29+$0x0], $0xffff  }
0x74: {  	s12 =	sand.u32 $0x40, s8;
	s10 =	sor.u32 s11, s10;
	v7 =	vmul.u32 $0x6, v7;
	v13 =	vld.idx.msk [tilespmem:v2+s29+$0x0], $0xffff  }
0x75: {  	s10 =	sor.u32 s12, s10;
	v3 =	vadd.s32 v10, v9;
	v10 =	vld.idx.msk [tilespmem:v1+s29+$0x0], $0xffff  }
0x76: {  	v8 =	vld [tilespmem:s10+$0x5030];
	v2 =	vadd.s32 v11, v5  }
.Ltmp1:
0x77: {  	v1 =	vadd.s32 v4, v7;
	v4 =	vld.idx.msk [tilespmem:v6+s29+$0x0], $0xffff;
	(pc) =	sbr.rel @p0 .LBB2_4-.Ltmp1, $4  }
0x78: {  	v9 =	vld [tilespmem:s10+$0x5000]  }
0x79: {  	v6 =	vld [tilespmem:s10+$0xF030];
	[tilespmem:s5+$0x19000] =	vst v12  }
0x7a: {  	v5 =	vld [tilespmem:s10+$0x5010];
	[tilespmem:s5+$0x19010] =	vst v13  }
0x7b: {  	v7 =	vld [tilespmem:s10+$0x5020];
	[tilespmem:s5+$0x19020] =	vst v10;
	s5 =	smov.u32 s6;
	s6 =	smov.u32 s10  }
0x7c: {  	v10 =	vld [tilespmem:s6+$0xF000]  }
0x7d: {  	v11 =	vld [tilespmem:s6+$0xF010]  }
0x7e: {  	v8 =	vmul.u32 $0x6, v8;
	v12 =	vld [tilespmem:s6+$0xF020]  }
0x7f: {  	v9 =	vmul.u32 $0x6, v9  }
0x80: {  	v6 =	vadd.s32 v6, v8;
	v5 =	vmul.u32 $0x6, v5  }
0x81: {  	v7 =	vmul.u32 $0x6, v7;
	v8 =	vadd.s32 v10, v9  }
0x82: {  	v3 =	vld.idx.msk [tilespmem:v3+s29+$0x0], $0xffff;
	v5 =	vadd.s32 v11, v5  }
0x83: {  	v2 =	vld.idx.msk [tilespmem:v2+s29+$0x0], $0xffff;
	v7 =	vadd.s32 v12, v7  }
0x84: {  	v1 =	vld.idx.msk [tilespmem:v1+s29+$0x0], $0xffff  }
0x85: {  	v6 =	vld.idx.msk [tilespmem:v6+s29+$0x0], $0xffff  }
0x86: {  	[tilespmem:s5+$0x19030] =	vst v4;
	v4 =	vld.idx.msk [tilespmem:v8+s29+$0x0], $0xffff  }
0x87: {  	[tilespmem:s5+$0x19000] =	vst v3;
	v3 =	vld.idx.msk [tilespmem:v5+s29+$0x0], $0xffff  }
0x88: {  	[tilespmem:s5+$0x19010] =	vst v2;
	v2 =	vld.idx.msk [tilespmem:v7+s29+$0x0], $0xffff  }
0x89: {  	[tilespmem:s5+$0x19020] =	vst v1  }
0x8a: {  	[tilespmem:s6+$0x19030] =	vst v6  }
0x8b: {  	[tilespmem:s6+$0x19000] =	vst v4  }
0x8c: {  	[tilespmem:s6+$0x19010] =	vst v3  }
0x8d: {  	[tilespmem:s6+$0x19020] =	vst v2  }
0x8e: {  	s5 =	rddreg [dreg:$0xc]  }
0x8f: {  	[hbm4b:s5+s20] =	stream.strided.scatter [tilespmem:s0], [sflag:$0x4], $0x5000, s21, s20, $0x38;
	[tilespmem:$0x1E180] =	vst v63  }
0x90: {  	s11 =	rddreg [dreg:$0xd]  }
0x91: {  	[tilespmem:s25], [sflag:$0x2] =	stream.strided.gather [hbm4b:s11+s20], $0x5000, s21, s20, $0x38;
	[tilespmem:$0x1E180] =	vst v63  }
0x92: {  	_ = 	snop  }
0x93: {  	[tilespmem:s26], [sflag:$0x2] =	stream.strided.gather [hbm4b:s13+s20], $0x5000, s21, s20, $0x38;
	[tilespmem:$0x1E180] =	vst v63  }
0x94: {  	_ =	swait.ge [sflag:s28], $0x5000  }
0x95: {  	[sflag:s28] =	ssyncset.done $0x0  }
0x96: {  	[sflag:s28] =	ssyncadd.s32 $0xFFFFB000  }
0x97: {  	s12 =	simm.s32 $0x0;
	_ =	swait.ge [sflag:s28], $0x5000  }
0x98: {  	s9 =	simm.s32 $0x0;
	s8 =	simm.s32 $0x0;
	[sflag:s28] =	ssyncset.done $0x0  }
0x99: {  	s7 =	sand.u32 $0xC00, s12;
	s6 =	sand.u32 $0x7000, s9;
	[sflag:s28] =	ssyncadd.s32 $0xFFFFB000  }
0x9a: {  	s10 =	sand.u32 $0x380, s8;
	s6 =	sor.u32 s7, s6;
	_ =	swait.ge [sflag:s2], $0x5000  }
0x9b: {  	s5 =	sand.u32 $0x40, s12;
	s6 =	sor.u32 s10, s6;
	[sflag:s2] =	ssyncset.done $0x0  }
0x9c: {  	s5 =	sor.u32 s5, s6;
	[sflag:s2] =	ssyncadd.s32 $0xFFFFB000  }
0x9d: {  	v1 =	vld [tilespmem:s5+$0x30];
	_ =	sdelay $0x1  }
0x9e: {  	v2 =	vld [tilespmem:s5+$0xA030];
	_ =	sdelay $0x1  }
0x9f: {  	v3 =	vld [tilespmem:s5+$0x0]  }
0xa0: {  	s7 =	simm.s32 $0x200;
	s11 =	simm.s32 $0x40;
	v5 =	vld [tilespmem:s5+$0x10];
	v1 =	vmul.u32 $0x6, v1  }
0xa1: {  	s9 =	simm.s32 $0x10;
	s12 =	sand.u32 $0xC00, s7;
	s6 =	sand.u32 $0x7000, s11;
	v6 =	vld [tilespmem:s5+$0x20]  }
0xa2: {  	s8 =	simm.s32 $0x40;
	s9 =	sand.u32 $0x380, s9;
	s6 =	sor.u32 s12, s6;
	v7 =	vld [tilespmem:s5+$0xA010];
	v1 =	vadd.s32 v2, v1  }
0xa3: {  	s10 =	sand.u32 $0x40, s8;
	s6 =	sor.u32 s9, s6;
	v10 =	vld [tilespmem:s5+$0xA020]  }
0xa4: {  	s6 =	sor.u32 s10, s6;
	v2 =	vld [tilespmem:s5+$0xA000]  }
0xa5: {  	v8 =	vld [tilespmem:s6+$0x30]  }
0xa6: {  	v9 =	vld [tilespmem:s6+$0x0]  }
0xa7: {  	v4 =	vld.idx.msk [tilespmem:v1+s29+$0x0], $0xffff;
	v1 =	vmul.u32 $0x6, v3  }
0xa8: {  	v11 =	vmul.u32 $0x6, v5;
	v63 =	vmul.u32 $0x6, v6;
	v6 =	vld [tilespmem:s6+$0xA030]  }
0xa9: {  	v5 =	vld [tilespmem:s6+$0x10];
	v3 =	vadd.s32 v2, v1  }
0xaa: {  	s9 =	simm.s32 $0x4;
	v2 =	vadd.s32 v7, v11;
	v1 =	vadd.s32 v10, v63;
	v7 =	vld [tilespmem:s6+$0x20]  }
.LBB2_6:
0xab: {  	s9 =	sadd.s32 $0x4, s9;
	v10 =	vld [tilespmem:s6+$0xA000];
	v8 =	vmul.u32 $0x6, v8  }
0xac: {  	s7 =	sadd.s32 $0x200, s7;
	s10 =	sshll.u32 s9, $0x4;
	p0 =	slt.u32 s9, $0x4FC;
	v9 =	vmul.u32 $0x6, v9;
	v11 =	vld [tilespmem:s6+$0xA010];
	[tilespmem:s5+$0x14030] =	vst v4  }
0xad: {  	s11 =	sand.u32 $0xC00, s7;
	s12 =	sshll.u32 s9, $0x2;
	s10 =	sand.u32 $0x7000, s10;
	v4 =	vld [tilespmem:s6+$0xA020];
	v6 =	vadd.s32 v6, v8  }
0xae: {  	s8 =	sadd.s32 $0x40, s8;
	s10 =	sor.u32 s11, s10;
	s11 =	sand.u32 $0x380, s12;
	v5 =	vmul.u32 $0x6, v5;
	v12 =	vld.idx.msk [tilespmem:v3+s29+$0x0], $0xffff  }
0xaf: {  	s12 =	sand.u32 $0x40, s8;
	s10 =	sor.u32 s11, s10;
	v7 =	vmul.u32 $0x6, v7;
	v13 =	vld.idx.msk [tilespmem:v2+s29+$0x0], $0xffff  }
0xb0: {  	s10 =	sor.u32 s12, s10;
	v3 =	vadd.s32 v10, v9;
	v10 =	vld.idx.msk [tilespmem:v1+s29+$0x0], $0xffff  }
0xb1: {  	v8 =	vld [tilespmem:s10+$0x30];
	v2 =	vadd.s32 v11, v5  }
.Ltmp2:
0xb2: {  	v1 =	vadd.s32 v4, v7;
	v4 =	vld.idx.msk [tilespmem:v6+s29+$0x0], $0xffff;
	(pc) =	sbr.rel @p0 .LBB2_6-.Ltmp2, $4  }
0xb3: {  	v9 =	vld [tilespmem:s10+$0x0]  }
0xb4: {  	v6 =	vld [tilespmem:s10+$0xA030];
	[tilespmem:s5+$0x14000] =	vst v12  }
0xb5: {  	v5 =	vld [tilespmem:s10+$0x10];
	[tilespmem:s5+$0x14010] =	vst v13  }
0xb6: {  	v7 =	vld [tilespmem:s10+$0x20];
	[tilespmem:s5+$0x14020] =	vst v10;
	s5 =	smov.u32 s6;
	s6 =	smov.u32 s10  }
0xb7: {  	v10 =	vld [tilespmem:s6+$0xA000]  }
0xb8: {  	v11 =	vld [tilespmem:s6+$0xA010]  }
0xb9: {  	v8 =	vmul.u32 $0x6, v8;
	v12 =	vld [tilespmem:s6+$0xA020]  }
0xba: {  	v9 =	vmul.u32 $0x6, v9  }
0xbb: {  	v6 =	vadd.s32 v6, v8;
	v5 =	vmul.u32 $0x6, v5  }
0xbc: {  	v7 =	vmul.u32 $0x6, v7;
	v8 =	vadd.s32 v10, v9  }
0xbd: {  	v3 =	vld.idx.msk [tilespmem:v3+s29+$0x0], $0xffff;
	v5 =	vadd.s32 v11, v5  }
0xbe: {  	v2 =	vld.idx.msk [tilespmem:v2+s29+$0x0], $0xffff;
	v7 =	vadd.s32 v12, v7  }
0xbf: {  	v1 =	vld.idx.msk [tilespmem:v1+s29+$0x0], $0xffff  }
0xc0: {  	v6 =	vld.idx.msk [tilespmem:v6+s29+$0x0], $0xffff  }
0xc1: {  	[tilespmem:s5+$0x14030] =	vst v4;
	v4 =	vld.idx.msk [tilespmem:v8+s29+$0x0], $0xffff  }
0xc2: {  	[tilespmem:s5+$0x14000] =	vst v3;
	v3 =	vld.idx.msk [tilespmem:v5+s29+$0x0], $0xffff  }
0xc3: {  	[tilespmem:s5+$0x14010] =	vst v2;
	v2 =	vld.idx.msk [tilespmem:v7+s29+$0x0], $0xffff  }
0xc4: {  	[tilespmem:s5+$0x14020] =	vst v1  }
0xc5: {  	[tilespmem:s6+$0x14030] =	vst v6  }
0xc6: {  	[tilespmem:s6+$0x14000] =	vst v4  }
0xc7: {  	[tilespmem:s6+$0x14010] =	vst v3  }
0xc8: {  	[tilespmem:s6+$0x14020] =	vst v2  }
0xc9: {  	[hbm4b:s14+s20] =	stream.strided.scatter [tilespmem:s30], [sflag:$0x3], $0x5000, s21, s20, $0x38;
	[tilespmem:$0x1E180] =	vst v63  }
0xca: {  	s12 =	simm.s32 $0x0  }
0xcb: {  	[tilespmem:s12], [sflag:$0x1] =	stream.strided.gather [hbm4b:s15+s20], $0x5000, s21, s20, $0x38;
	[tilespmem:$0x1E180] =	vst v63  }
0xcc: {  	_ = 	snop  }
0xcd: {  	[tilespmem:s22], [sflag:$0x1] =	stream.strided.gather [hbm4b:s16+s20], $0x5000, s21, s20, $0x38;
	[tilespmem:$0x1E180] =	vst v63  }
0xce: {  	_ =	swait.ge [sflag:s31], $0x5000  }
0xcf: {  	[sflag:s31] =	ssyncset.done $0x0  }
0xd0: {  	[sflag:s31] =	ssyncadd.s32 $0xFFFFB000  }
0xd1: {  	_ =	swait.ge [sflag:s31], $0x5000  }
0xd2: {  	s9 =	simm.s32 $0x0;
	s8 =	simm.s32 $0x0;
	[sflag:s31] =	ssyncset.done $0x0  }
0xd3: {  	s7 =	sand.u32 $0xC00, s12;
	s6 =	sand.u32 $0x7000, s9;
	[sflag:s31] =	ssyncadd.s32 $0xFFFFB000  }
0xd4: {  	s10 =	sand.u32 $0x380, s8;
	s6 =	sor.u32 s7, s6;
	_ =	swait.ge [sflag:s1], $0x5000  }
0xd5: {  	s5 =	sand.u32 $0x40, s12;
	s6 =	sor.u32 s10, s6;
	[sflag:s1] =	ssyncset.done $0x0  }
0xd6: {  	s5 =	sor.u32 s5, s6;
	[sflag:s1] =	ssyncadd.s32 $0xFFFFB000  }
0xd7: {  	v1 =	vld [tilespmem:s5+$0x5030];
	_ =	sdelay $0x1  }
0xd8: {  	v2 =	vld [tilespmem:s5+$0xF030];
	_ =	sdelay $0x1  }
0xd9: {  	v3 =	vld [tilespmem:s5+$0x5000]  }
0xda: {  	s11 =	simm.s32 $0x40;
	s7 =	simm.s32 $0x200;
	v5 =	vld [tilespmem:s5+$0x5010];
	v1 =	vmul.u32 $0x6, v1  }
0xdb: {  	s9 =	simm.s32 $0x10;
	s6 =	sand.u32 $0x7000, s11;
	s12 =	sand.u32 $0xC00, s7;
	v6 =	vld [tilespmem:s5+$0x5020]  }
0xdc: {  	s8 =	simm.s32 $0x40;
	s9 =	sand.u32 $0x380, s9;
	s6 =	sor.u32 s12, s6;
	v7 =	vld [tilespmem:s5+$0xF010];
	v1 =	vadd.s32 v2, v1  }
0xdd: {  	s10 =	sand.u32 $0x40, s8;
	s6 =	sor.u32 s9, s6;
	v10 =	vld [tilespmem:s5+$0xF020]  }
0xde: {  	s6 =	sor.u32 s10, s6;
	v2 =	vld [tilespmem:s5+$0xF000]  }
0xdf: {  	v8 =	vld [tilespmem:s6+$0x5030]  }
0xe0: {  	v9 =	vld [tilespmem:s6+$0x5000]  }
0xe1: {  	v4 =	vld.idx.msk [tilespmem:v1+s29+$0x0], $0xffff;
	v1 =	vmul.u32 $0x6, v3  }
0xe2: {  	v11 =	vmul.u32 $0x6, v5;
	v63 =	vmul.u32 $0x6, v6;
	v6 =	vld [tilespmem:s6+$0xF030]  }
0xe3: {  	v5 =	vld [tilespmem:s6+$0x5010];
	v3 =	vadd.s32 v2, v1  }
0xe4: {  	s9 =	simm.s32 $0x4;
	v2 =	vadd.s32 v7, v11;
	v1 =	vadd.s32 v10, v63;
	v7 =	vld [tilespmem:s6+$0x5020]  }
.LBB2_8:
0xe5: {  	s9 =	sadd.s32 $0x4, s9;
	v10 =	vld [tilespmem:s6+$0xF000];
	v8 =	vmul.u32 $0x6, v8  }
0xe6: {  	s7 =	sadd.s32 $0x200, s7;
	s10 =	sshll.u32 s9, $0x4;
	p0 =	slt.u32 s9, $0x4FC;
	v9 =	vmul.u32 $0x6, v9;
	v11 =	vld [tilespmem:s6+$0xF010];
	[tilespmem:s5+$0x19030] =	vst v4  }
0xe7: {  	s11 =	sand.u32 $0xC00, s7;
	s12 =	sshll.u32 s9, $0x2;
	s10 =	sand.u32 $0x7000, s10;
	v4 =	vld [tilespmem:s6+$0xF020];
	v6 =	vadd.s32 v6, v8  }
0xe8: {  	s8 =	sadd.s32 $0x40, s8;
	s10 =	sor.u32 s11, s10;
	s11 =	sand.u32 $0x380, s12;
	v5 =	vmul.u32 $0x6, v5;
	v12 =	vld.idx.msk [tilespmem:v3+s29+$0x0], $0xffff  }
0xe9: {  	s12 =	sand.u32 $0x40, s8;
	s10 =	sor.u32 s11, s10;
	v7 =	vmul.u32 $0x6, v7;
	v13 =	vld.idx.msk [tilespmem:v2+s29+$0x0], $0xffff  }
0xea: {  	s10 =	sor.u32 s12, s10;
	v3 =	vadd.s32 v10, v9;
	v10 =	vld.idx.msk [tilespmem:v1+s29+$0x0], $0xffff  }
0xeb: {  	v8 =	vld [tilespmem:s10+$0x5030];
	v2 =	vadd.s32 v11, v5  }
.Ltmp3:
0xec: {  	v1 =	vadd.s32 v4, v7;
	v4 =	vld.idx.msk [tilespmem:v6+s29+$0x0], $0xffff;
	(pc) =	sbr.rel @p0 .LBB2_8-.Ltmp3, $4  }
0xed: {  	v9 =	vld [tilespmem:s10+$0x5000]  }
0xee: {  	v6 =	vld [tilespmem:s10+$0xF030];
	[tilespmem:s5+$0x19000] =	vst v12  }
0xef: {  	v5 =	vld [tilespmem:s10+$0x5010];
	[tilespmem:s5+$0x19010] =	vst v13  }
0xf0: {  	v7 =	vld [tilespmem:s10+$0x5020];
	[tilespmem:s5+$0x19020] =	vst v10;
	s5 =	smov.u32 s6;
	s6 =	smov.u32 s10  }
0xf1: {  	v10 =	vld [tilespmem:s6+$0xF000]  }
0xf2: {  	v11 =	vld [tilespmem:s6+$0xF010]  }
0xf3: {  	v8 =	vmul.u32 $0x6, v8;
	v12 =	vld [tilespmem:s6+$0xF020]  }
0xf4: {  	v9 =	vmul.u32 $0x6, v9  }
0xf5: {  	v6 =	vadd.s32 v6, v8;
	v5 =	vmul.u32 $0x6, v5  }
0xf6: {  	v7 =	vmul.u32 $0x6, v7;
	v8 =	vadd.s32 v10, v9  }
0xf7: {  	v3 =	vld.idx.msk [tilespmem:v3+s29+$0x0], $0xffff;
	v5 =	vadd.s32 v11, v5  }
0xf8: {  	v2 =	vld.idx.msk [tilespmem:v2+s29+$0x0], $0xffff;
	v7 =	vadd.s32 v12, v7  }
0xf9: {  	v1 =	vld.idx.msk [tilespmem:v1+s29+$0x0], $0xffff  }
0xfa: {  	v6 =	vld.idx.msk [tilespmem:v6+s29+$0x0], $0xffff  }
0xfb: {  	[tilespmem:s5+$0x19030] =	vst v4;
	v4 =	vld.idx.msk [tilespmem:v8+s29+$0x0], $0xffff  }
0xfc: {  	[tilespmem:s5+$0x19000] =	vst v3;
	v3 =	vld.idx.msk [tilespmem:v5+s29+$0x0], $0xffff  }
0xfd: {  	[tilespmem:s5+$0x19010] =	vst v2;
	v2 =	vld.idx.msk [tilespmem:v7+s29+$0x0], $0xffff  }
0xfe: {  	[tilespmem:s5+$0x19020] =	vst v1  }
0xff: {  	[tilespmem:s6+$0x19030] =	vst v6  }
0x100: {  	[tilespmem:s6+$0x19000] =	vst v4  }
0x101: {  	[tilespmem:s6+$0x19010] =	vst v3  }
0x102: {  	[tilespmem:s6+$0x19020] =	vst v2  }
0x103: {  	[hbm4b:s17+s20] =	stream.strided.scatter [tilespmem:s0], [sflag:$0x4], $0x5000, s21, s20, $0x38;
	[tilespmem:$0x1E180] =	vst v63  }
0x104: {  	_ =	swait.ge [sflag:s28], $0x5000  }
0x105: {  	[sflag:s28] =	ssyncset.done $0x0  }
0x106: {  	[sflag:s28] =	ssyncadd.s32 $0xFFFFB000  }
0x107: {  	s12 =	simm.s32 $0x0;
	_ =	swait.ge [sflag:s28], $0x5000  }
0x108: {  	s9 =	simm.s32 $0x0;
	s8 =	simm.s32 $0x0;
	[sflag:s28] =	ssyncset.done $0x0  }
0x109: {  	s7 =	sand.u32 $0xC00, s12;
	s6 =	sand.u32 $0x7000, s9;
	[sflag:s28] =	ssyncadd.s32 $0xFFFFB000  }
0x10a: {  	s10 =	sand.u32 $0x380, s8;
	s6 =	sor.u32 s7, s6;
	_ =	swait.ge [sflag:s2], $0x5000  }
0x10b: {  	s5 =	sand.u32 $0x40, s12;
	s6 =	sor.u32 s10, s6;
	[sflag:s2] =	ssyncset.done $0x0  }
0x10c: {  	s5 =	sor.u32 s5, s6;
	[sflag:s2] =	ssyncadd.s32 $0xFFFFB000  }
0x10d: {  	v1 =	vld [tilespmem:s5+$0x30];
	_ =	sdelay $0x1  }
0x10e: {  	v2 =	vld [tilespmem:s5+$0xA030];
	_ =	sdelay $0x1  }
0x10f: {  	v3 =	vld [tilespmem:s5+$0x0]  }
0x110: {  	s11 =	simm.s32 $0x40;
	s7 =	simm.s32 $0x200;
	v5 =	vld [tilespmem:s5+$0x10];
	v1 =	vmul.u32 $0x6, v1  }
0x111: {  	s9 =	simm.s32 $0x10;
	s12 =	sand.u32 $0xC00, s7;
	s6 =	sand.u32 $0x7000, s11;
	v6 =	vld [tilespmem:s5+$0x20]  }
0x112: {  	s8 =	simm.s32 $0x40;
	s9 =	sand.u32 $0x380, s9;
	s6 =	sor.u32 s12, s6;
	v7 =	vld [tilespmem:s5+$0xA010];
	v1 =	vadd.s32 v2, v1  }
0x113: {  	s10 =	sand.u32 $0x40, s8;
	s6 =	sor.u32 s9, s6;
	v10 =	vld [tilespmem:s5+$0xA020]  }
0x114: {  	s6 =	sor.u32 s10, s6;
	v2 =	vld [tilespmem:s5+$0xA000]  }
0x115: {  	v8 =	vld [tilespmem:s6+$0x30]  }
0x116: {  	v9 =	vld [tilespmem:s6+$0x0]  }
0x117: {  	v4 =	vld.idx.msk [tilespmem:v1+s29+$0x0], $0xffff;
	v1 =	vmul.u32 $0x6, v3  }
0x118: {  	v11 =	vmul.u32 $0x6, v5;
	v63 =	vmul.u32 $0x6, v6;
	v6 =	vld [tilespmem:s6+$0xA030]  }
0x119: {  	v5 =	vld [tilespmem:s6+$0x10];
	v3 =	vadd.s32 v2, v1  }
0x11a: {  	s9 =	simm.s32 $0x4;
	v2 =	vadd.s32 v7, v11;
	v1 =	vadd.s32 v10, v63;
	v7 =	vld [tilespmem:s6+$0x20]  }
.LBB2_10:
0x11b: {  	s9 =	sadd.s32 $0x4, s9;
	v10 =	vld [tilespmem:s6+$0xA000];
	v8 =	vmul.u32 $0x6, v8  }
0x11c: {  	s7 =	sadd.s32 $0x200, s7;
	s10 =	sshll.u32 s9, $0x4;
	p0 =	slt.u32 s9, $0x4FC;
	v9 =	vmul.u32 $0x6, v9;
	v11 =	vld [tilespmem:s6+$0xA010];
	[tilespmem:s5+$0x14030] =	vst v4  }
0x11d: {  	s11 =	sand.u32 $0xC00, s7;
	s12 =	sshll.u32 s9, $0x2;
	s10 =	sand.u32 $0x7000, s10;
	v4 =	vld [tilespmem:s6+$0xA020];
	v6 =	vadd.s32 v6, v8  }
0x11e: {  	s8 =	sadd.s32 $0x40, s8;
	s10 =	sor.u32 s11, s10;
	s11 =	sand.u32 $0x380, s12;
	v5 =	vmul.u32 $0x6, v5;
	v12 =	vld.idx.msk [tilespmem:v3+s29+$0x0], $0xffff  }
0x11f: {  	s12 =	sand.u32 $0x40, s8;
	s10 =	sor.u32 s11, s10;
	v7 =	vmul.u32 $0x6, v7;
	v13 =	vld.idx.msk [tilespmem:v2+s29+$0x0], $0xffff  }
0x120: {  	s10 =	sor.u32 s12, s10;
	v3 =	vadd.s32 v10, v9;
	v10 =	vld.idx.msk [tilespmem:v1+s29+$0x0], $0xffff  }
0x121: {  	v8 =	vld [tilespmem:s10+$0x30];
	v2 =	vadd.s32 v11, v5  }
.Ltmp4:
0x122: {  	v1 =	vadd.s32 v4, v7;
	v4 =	vld.idx.msk [tilespmem:v6+s29+$0x0], $0xffff;
	(pc) =	sbr.rel @p0 .LBB2_10-.Ltmp4, $4  }
0x123: {  	v9 =	vld [tilespmem:s10+$0x0]  }
0x124: {  	v6 =	vld [tilespmem:s10+$0xA030];
	[tilespmem:s5+$0x14000] =	vst v12  }
0x125: {  	v5 =	vld [tilespmem:s10+$0x10];
	[tilespmem:s5+$0x14010] =	vst v13  }
0x126: {  	v7 =	vld [tilespmem:s10+$0x20];
	[tilespmem:s5+$0x14020] =	vst v10;
	s5 =	smov.u32 s6;
	s6 =	smov.u32 s10  }
0x127: {  	v10 =	vld [tilespmem:s6+$0xA000]  }
0x128: {  	v11 =	vld [tilespmem:s6+$0xA010]  }
0x129: {  	v8 =	vmul.u32 $0x6, v8;
	v12 =	vld [tilespmem:s6+$0xA020]  }
0x12a: {  	v9 =	vmul.u32 $0x6, v9  }
0x12b: {  	v6 =	vadd.s32 v6, v8;
	v5 =	vmul.u32 $0x6, v5  }
0x12c: {  	v7 =	vmul.u32 $0x6, v7;
	v62 =	vadd.s32 v10, v9  }
0x12d: {  	v3 =	vld.idx.msk [tilespmem:v3+s29+$0x0], $0xffff;
	v5 =	vadd.s32 v11, v5  }
0x12e: {  	v2 =	vld.idx.msk [tilespmem:v2+s29+$0x0], $0xffff;
	v7 =	vadd.s32 v12, v7  }
0x12f: {  	v1 =	vld.idx.msk [tilespmem:v1+s29+$0x0], $0xffff  }
0x130: {  	v6 =	vld.idx.msk [tilespmem:v6+s29+$0x0], $0xffff  }
0x131: {  	[tilespmem:s5+$0x14030] =	vst v4;
	v63 =	vld.idx.msk [tilespmem:v62+s29+$0x0], $0xffff  }
0x132: {  	[tilespmem:s5+$0x14000] =	vst v3;
	v3 =	vld.idx.msk [tilespmem:v5+s29+$0x0], $0xffff  }
0x133: {  	[tilespmem:s5+$0x14010] =	vst v2;
	v2 =	vld.idx.msk [tilespmem:v7+s29+$0x0], $0xffff  }
0x134: {  	[tilespmem:s5+$0x14020] =	vst v1  }
0x135: {  	[tilespmem:s6+$0x14030] =	vst v6  }
0x136: {  	[tilespmem:s6+$0x14000] =	vst v63  }
0x137: {  	[tilespmem:s6+$0x14010] =	vst v3  }
0x138: {  	s4 =	sadd.s32 $0x1, s4;
	[tilespmem:s6+$0x14020] =	vst v2  }
0x139: {  	[hbm4b:s18+s20] =	stream.strided.scatter [tilespmem:s30], [sflag:$0x3], $0x5000, s21, s20, $0x38;
	[tilespmem:$0x1E180] =	vst v63  }
0x13a: {  	p0 =	sne.s32 s4, s19;
	_ =	swait.ge [sflag:s1], $0x5000  }
.Ltmp5:
0x13b: {  	[sflag:s1] =	ssyncset.done $0x0;
	(pc) =	sbr.rel @p0 .LBB2_1-.Ltmp5, $4  }
0x13c: {  	[sflag:s1] =	ssyncadd.s32 $0xFFFFB000  }
0x13d: {  	_ =	swait.ge [sflag:s2], $0x5000  }
0x13e: {  	[sflag:s2] =	ssyncset.done $0x0  }
0x13f: {  	[sflag:s2] =	ssyncadd.s32 $0xFFFFB000  }
0x140: {  	_ =	sfence.sel $0x180000  }
0x141: {  	[bflag:$0x0] =	sbarrier.arrive $0xFFFF  }
0x142: {  	_ =	strace $0x90000047  }
0x143: {  	s0 =	stileid.u32;
	[bflag:$0x2] =	sbarrier.arrive $0xFFFF  }
0x144: {  	p0 =	sne.s32 s0, $0x0;
	s0 =	rddreg [dreg:$0x4]  }
0x145: {  	s0 =	sadd.s32 @!p0 $0x100000, s0  }
0x146: {  	[sflag:s0] =	ssyncadd.tile.s32 @!p0 $0x1;
	_ =	shalt  }
.Lfunc_end2:
_tile_overlayer_lowered:
.L_overlay_start_2:
0x147: {  	(tag) =	ssettag $0x2  }
0x148: {  	s0 =	rddreg [dreg:$0x0];
	s2 =	stileid.u32  }
0x149: {  	s1 =	rddreg [dreg:$0x1];
	p0 =	sne.s32 s2, $0x0  }
0x14a: {  	s3 =	rddreg [dreg:$0x2];
	[bflag:$0x3] =	sbarrier.arrive $0xFFFF;
	s2 =	simm.s32 @!p0 $0x1C05  }
0x14b: {  	[timem:s3], [sflag:s2] =	dma.local @!p0 [hbm:s0], s1  }
0x14c: {  	s0 =	simm.s32 @!p0 $0x5  }
0x14d: {  	_ =	swait.ge @!p0 [sflag:s0], s1  }
0x14e: {  	s1 =	ssub.s32 @!p0 $0x0, s1;
	[sflag:s0] =	ssyncset.done @!p0 $0x0  }
0x14f: {  	[sflag:s0] =	ssyncadd.s32 @!p0 s1  }
0x150: {  	[bflag:$0x3] =	sbarrier.arrive $0xFFFF  }
0x151: {  	_ =	shalt  }

</sc_bundles>
